<compile_context>
chip_gen: v7x
topology: tpu7x:2x2x1
jax: 0.10.2.dev20260603
libtpu: 0.0.44.dev20260713+nightly
codegen_flags: <defaults>
</compile_context>

<pallas_src>
import functools

import jax
import jax.numpy as jnp
from jax import lax
from jax.experimental import pallas as pl
from jax.experimental.pallas import tpu as pltpu
from jax.experimental.pallas import tpu_sc as plsc

D_MODEL = 256
MAX_LEN = 2048
SEQ_LEN = 512
WIN_START = MAX_LEN - SEQ_LEN
NUM_SHIFTS = 8
WIN_ROWS = 1016

NUM_CORES = 2
NUM_SUBCORES = 16

TC_ROWS = 256
SC_ROWS = SEQ_LEN - TC_ROWS
SHIFTS_PER_CORE = NUM_SHIFTS // NUM_CORES
ABLOCK = SC_ROWS // NUM_SHIFTS // NUM_SUBCORES
TC_BLOCK = 8
SC_WIN_ROWS = SC_ROWS - NUM_SHIFTS + SEQ_LEN


def _sc_body(win_hbm, out_hbm, win, sem):
    cid = lax.axis_index("c")
    sid = lax.axis_index("s")

    for t in range(SHIFTS_PER_CORE):
        for c in range(4):
            rows = min(192, SC_WIN_ROWS - c * 192)

            @pl.when(sid == t * 4 + c)
            def _load(t=t, c=c, rows=rows):
                pltpu.sync_copy(
                    win_hbm.at[SHIFTS_PER_CORE * cid + t, pl.ds(c * 192, rows)],
                    win.at[t, pl.ds(c * 192, rows)])

    plsc.subcore_barrier()

    handles = []
    for ka in range(ABLOCK):
        a = (sid * ABLOCK + ka) * NUM_SHIFTS
        for t in range(SHIFTS_PER_CORE):
            start = a + SHIFTS_PER_CORE * cid + t
            i = (SEQ_LEN - 1) - start
            handles.append(pltpu.async_copy(
                win.at[t, pl.ds(pl.multiple_of(a, NUM_SHIFTS), SEQ_LEN)],
                out_hbm.at[i], sem))
    for h in handles:
        h.wait()


def _prep_body(a_ref, b_ref, win8_ref):
    for s in range(NUM_SHIFTS):
        win8_ref[s, : SEQ_LEN - s, :] = a_ref[pl.ds(s, SEQ_LEN - s), :]
        win8_ref[s, SEQ_LEN - s :, :] = b_ref[pl.ds(0, WIN_ROWS - SEQ_LEN + s), :]


def _tc_finish_body(win8_ref, _aliased_ref, out_ref):
    g = pl.program_id(0)
    for k in range(TC_BLOCK):
        i = g * TC_BLOCK + k
        s = (NUM_SHIFTS - 1 - k) % NUM_SHIFTS
        a = pl.multiple_of((SEQ_LEN - 1) - i - s, NUM_SHIFTS)
        out_ref[k] = win8_ref[s, pl.ds(a, SEQ_LEN), :]


def kernel(seq_len, table):
    del seq_len
    win8 = pl.pallas_call(
        _prep_body,
        grid=(1,),
        in_specs=[
            pl.BlockSpec((SEQ_LEN, D_MODEL),
                         lambda g: (WIN_START // SEQ_LEN, 0)),
            pl.BlockSpec((SEQ_LEN, D_MODEL),
                         lambda g: (WIN_START // SEQ_LEN + 1, 0)),
        ],
        out_specs=pl.BlockSpec((NUM_SHIFTS, WIN_ROWS, D_MODEL),
                               lambda g: (0, 0, 0)),
        out_shape=jax.ShapeDtypeStruct((NUM_SHIFTS, WIN_ROWS, D_MODEL),
                                       jnp.float32),
    )(table, table)

    mesh = plsc.VectorSubcoreMesh(core_axis_name="c", subcore_axis_name="s")
    sc_run = functools.partial(
        pl.kernel,
        mesh=mesh,
        out_type=jax.ShapeDtypeStruct((SEQ_LEN, SEQ_LEN, D_MODEL), jnp.float32),
        scratch_types=[
            pltpu.VMEM_SHARED((SHIFTS_PER_CORE, SC_WIN_ROWS, D_MODEL),
                              jnp.float32),
            pltpu.SemaphoreType.DMA,
        ],
    )(_sc_body)
    partial_out = sc_run(win8)

    return pl.pallas_call(
        _tc_finish_body,
        grid=(TC_ROWS // TC_BLOCK,),
        in_specs=[
            pl.BlockSpec((NUM_SHIFTS, WIN_ROWS, D_MODEL), lambda g: (0, 0, 0)),
            pl.BlockSpec(memory_space=pltpu.HBM),
        ],
        out_specs=pl.BlockSpec((TC_BLOCK, SEQ_LEN, D_MODEL),
                               lambda g: (g, 0, 0)),
        out_shape=jax.ShapeDtypeStruct((SEQ_LEN, SEQ_LEN, D_MODEL),
                                       jnp.float32),
        input_output_aliases={1: 0},
    )(win8, partial_out)

# --- scband reference (transcript-rebuilt; emitter-appended) ---
"""Pipeline reference for scband-relative-positional-encoding-39307540693076 (READ-ONLY COPY).

The authoritative reference and input builder live on the scoring server;
editing this copy changes nothing except your own understanding.
"""

import jax, jax.numpy as jnp
import numpy as np

D_MODEL = 256
MAX_LEN = 2048
SEQ_LEN = 512


def setup_inputs(seed: int = 0) -> dict:
    key = jax.random.key(seed)
    table = jax.random.normal(key, (2 * MAX_LEN - 1, D_MODEL), dtype=jnp.float32)
    return {"seq_len": 512, "table": table}


def reference(seq_len, table):
    range_vec = jnp.arange(SEQ_LEN) + (seq_len - seq_len)
    distance_mat = range_vec[None, :] - range_vec[:, None]
    distance_mat_clipped = jnp.clip(distance_mat, -MAX_LEN + 1, MAX_LEN - 1)
    final_mat = distance_mat_clipped + MAX_LEN - 1
    # embedding lookup: gather rows of the relative embedding table
    return jnp.take(table, final_mat, axis=0)

if __name__ == "__main__":
    import jax
    _d = setup_inputs()
    print(jax.jit(kernel)(*tuple(_d.values())))

</pallas_src>

<mosaic_0001>
#map = affine_map<(d0, d1) -> (0, 0, 0)>
module attributes {stable_mosaic.version = 14 : i64} {
  func.func @_sc_body(%arg0: i32, %arg1: i32, %arg2: memref<8x1016x256xf32, #tpu.memory_space<hbm>>, %arg3: memref<512x512x256xf32, #tpu.memory_space<hbm>>, %arg4: memref<4x760x256xf32, #tpu.memory_space<vmem_shared>>, %arg5: memref<!tpu.dma_semaphore, #tpu.memory_space<semaphore_mem>>) attributes {dimension_semantics = [#tpu.dimension_semantics<core_parallel>, #tpu.dimension_semantics<subcore_parallel>], iteration_bounds = array<i64: 2, 16>, scalar_prefetch = 0 : i64, scratch_operands = 2 : i64, tpu.core_type = #tpu.core_type<sc_vector_subcore>, window_params = [{transform_indices = #map}, {transform_indices = #map}]} {
    %eq3A = arith.constant 0 : i32
    %eq3A_0 = arith.cmpi eq, %arg1, %eq3A : i32
    %convert_element_type3A = arith.extui %eq3A_0 : i1 to i32
    %cond3A = arith.constant 0 : i32
    %cond3A_1 = arith.cmpi ne, %convert_element_type3A, %cond3A : i32
    scf.if %cond3A_1 {
      %mul3A_275 = arith.constant 4 : i32
      %mul3A_276 = arith.muli %mul3A_275, %arg0 : i32
      %add3A_277 = arith.constant 0 : i32
      %add3A_278 = arith.addi %mul3A_276, %add3A_277 : i32
      %run_scoped3A = arith.constant 0 : i32
      "tpu.region"() ({
        %run_scoped3A_279 = tpu.sem_alloc : memref<!tpu.dma_semaphore, #tpu.memory_space<semaphore_mem>>
        %dma_start3A_280 = arith.constant 0 : i32
        %dma_start3A_281 = arith.constant 0 : i32
        %dma_start3A_282 = tpu.memref_slice %arg4[%run_scoped3A, %dma_start3A_280, %dma_start3A_281] : memref<4x760x256xf32, #tpu.memory_space<vmem_shared>> -> memref<1x192x256xf32, #tpu.memory_space<vmem_shared>>
        %dma_start3A_283 = tpu.memref_squeeze %dma_start3A_282 : memref<1x192x256xf32, #tpu.memory_space<vmem_shared>> -> memref<192x256xf32, #tpu.memory_space<vmem_shared>>
        %dma_start3A_284 = arith.constant 0 : i32
        %dma_start3A_285 = arith.constant 0 : i32
        %dma_start3A_286 = tpu.memref_slice %arg2[%add3A_278, %dma_start3A_284, %dma_start3A_285] : memref<8x1016x256xf32, #tpu.memory_space<hbm>> -> memref<1x192x256xf32, #tpu.memory_space<hbm>>
        %dma_start3A_287 = tpu.memref_squeeze %dma_start3A_286 : memref<1x192x256xf32, #tpu.memory_space<hbm>> -> memref<192x256xf32, #tpu.memory_space<hbm>>
        tpu.enqueue_dma source(%dma_start3A_287 : memref<192x256xf32, #tpu.memory_space<hbm>>) target(%dma_start3A_283 : memref<192x256xf32, #tpu.memory_space<vmem_shared>>) target_semaphore(%run_scoped3A_279 : memref<!tpu.dma_semaphore, #tpu.memory_space<semaphore_mem>>)
        %dma_wait3A_288 = arith.constant 0 : i32
        %dma_wait3A_289 = arith.constant 0 : i32
        %dma_wait3A_290 = tpu.memref_slice %arg4[%run_scoped3A, %dma_wait3A_288, %dma_wait3A_289] : memref<4x760x256xf32, #tpu.memory_space<vmem_shared>> -> memref<1x192x256xf32, #tpu.memory_space<vmem_shared>>
        %dma_wait3A_291 = tpu.memref_squeeze %dma_wait3A_290 : memref<1x192x256xf32, #tpu.memory_space<vmem_shared>> -> memref<192x256xf32, #tpu.memory_space<vmem_shared>>
        %dma_wait3A_292 = arith.constant 0 : i32
        %dma_wait3A_293 = arith.constant 0 : i32
        %dma_wait3A_294 = tpu.memref_slice %arg2[%add3A_278, %dma_wait3A_292, %dma_wait3A_293] : memref<8x1016x256xf32, #tpu.memory_space<hbm>> -> memref<1x192x256xf32, #tpu.memory_space<hbm>>
        %dma_wait3A_295 = tpu.memref_squeeze %dma_wait3A_294 : memref<1x192x256xf32, #tpu.memory_space<hbm>> -> memref<192x256xf32, #tpu.memory_space<hbm>>
        tpu.wait_dma2 semaphore(%run_scoped3A_279 : memref<!tpu.dma_semaphore, #tpu.memory_space<semaphore_mem>>) src(%dma_wait3A_295 : memref<192x256xf32, #tpu.memory_space<hbm>>) dst(%dma_wait3A_291 : memref<192x256xf32, #tpu.memory_space<vmem_shared>>)
        tpu.yield
      }) : () -> ()
    } else {
    }
    %eq3A_2 = arith.constant 1 : i32
    %eq3A_3 = arith.cmpi eq, %arg1, %eq3A_2 : i32
    %convert_element_type3A_4 = arith.extui %eq3A_3 : i1 to i32
    %cond3A_5 = arith.constant 0 : i32
    %cond3A_6 = arith.cmpi ne, %convert_element_type3A_4, %cond3A_5 : i32
    scf.if %cond3A_6 {
      %mul3A_275 = arith.constant 4 : i32
      %mul3A_276 = arith.muli %mul3A_275, %arg0 : i32
      %add3A_277 = arith.constant 0 : i32
      %add3A_278 = arith.addi %mul3A_276, %add3A_277 : i32
      %run_scoped3A = arith.constant 0 : i32
      "tpu.region"() ({
        %run_scoped3A_279 = tpu.sem_alloc : memref<!tpu.dma_semaphore, #tpu.memory_space<semaphore_mem>>
        %dma_start3A_280 = arith.constant 192 : i32
        %dma_start3A_281 = arith.constant 0 : i32
        %dma_start3A_282 = tpu.memref_slice %arg4[%run_scoped3A, %dma_start3A_280, %dma_start3A_281] : memref<4x760x256xf32, #tpu.memory_space<vmem_shared>> -> memref<1x192x256xf32, #tpu.memory_space<vmem_shared>>
        %dma_start3A_283 = tpu.memref_squeeze %dma_start3A_282 : memref<1x192x256xf32, #tpu.memory_space<vmem_shared>> -> memref<192x256xf32, #tpu.memory_space<vmem_shared>>
        %dma_start3A_284 = arith.constant 192 : i32
        %dma_start3A_285 = arith.constant 0 : i32
        %dma_start3A_286 = tpu.memref_slice %arg2[%add3A_278, %dma_start3A_284, %dma_start3A_285] : memref<8x1016x256xf32, #tpu.memory_space<hbm>> -> memref<1x192x256xf32, #tpu.memory_space<hbm>>
        %dma_start3A_287 = tpu.memref_squeeze %dma_start3A_286 : memref<1x192x256xf32, #tpu.memory_space<hbm>> -> memref<192x256xf32, #tpu.memory_space<hbm>>
        tpu.enqueue_dma source(%dma_start3A_287 : memref<192x256xf32, #tpu.memory_space<hbm>>) target(%dma_start3A_283 : memref<192x256xf32, #tpu.memory_space<vmem_shared>>) target_semaphore(%run_scoped3A_279 : memref<!tpu.dma_semaphore, #tpu.memory_space<semaphore_mem>>)
        %dma_wait3A_288 = arith.constant 192 : i32
        %dma_wait3A_289 = arith.constant 0 : i32
        %dma_wait3A_290 = tpu.memref_slice %arg4[%run_scoped3A, %dma_wait3A_288, %dma_wait3A_289] : memref<4x760x256xf32, #tpu.memory_space<vmem_shared>> -> memref<1x192x256xf32, #tpu.memory_space<vmem_shared>>
        %dma_wait3A_291 = tpu.memref_squeeze %dma_wait3A_290 : memref<1x192x256xf32, #tpu.memory_space<vmem_shared>> -> memref<192x256xf32, #tpu.memory_space<vmem_shared>>
        %dma_wait3A_292 = arith.constant 192 : i32
        %dma_wait3A_293 = arith.constant 0 : i32
        %dma_wait3A_294 = tpu.memref_slice %arg2[%add3A_278, %dma_wait3A_292, %dma_wait3A_293] : memref<8x1016x256xf32, #tpu.memory_space<hbm>> -> memref<1x192x256xf32, #tpu.memory_space<hbm>>
        %dma_wait3A_295 = tpu.memref_squeeze %dma_wait3A_294 : memref<1x192x256xf32, #tpu.memory_space<hbm>> -> memref<192x256xf32, #tpu.memory_space<hbm>>
        tpu.wait_dma2 semaphore(%run_scoped3A_279 : memref<!tpu.dma_semaphore, #tpu.memory_space<semaphore_mem>>) src(%dma_wait3A_295 : memref<192x256xf32, #tpu.memory_space<hbm>>) dst(%dma_wait3A_291 : memref<192x256xf32, #tpu.memory_space<vmem_shared>>)
        tpu.yield
      }) : () -> ()
    } else {
    }
    %eq3A_7 = arith.constant 2 : i32
    %eq3A_8 = arith.cmpi eq, %arg1, %eq3A_7 : i32
    %convert_element_type3A_9 = arith.extui %eq3A_8 : i1 to i32
    %cond3A_10 = arith.constant 0 : i32
    %cond3A_11 = arith.cmpi ne, %convert_element_type3A_9, %cond3A_10 : i32
    scf.if %cond3A_11 {
      %mul3A_275 = arith.constant 4 : i32
      %mul3A_276 = arith.muli %mul3A_275, %arg0 : i32
      %add3A_277 = arith.constant 0 : i32
      %add3A_278 = arith.addi %mul3A_276, %add3A_277 : i32
      %run_scoped3A = arith.constant 0 : i32
      "tpu.region"() ({
        %run_scoped3A_279 = tpu.sem_alloc : memref<!tpu.dma_semaphore, #tpu.memory_space<semaphore_mem>>
        %dma_start3A_280 = arith.constant 384 : i32
        %dma_start3A_281 = arith.constant 0 : i32
        %dma_start3A_282 = tpu.memref_slice %arg4[%run_scoped3A, %dma_start3A_280, %dma_start3A_281] : memref<4x760x256xf32, #tpu.memory_space<vmem_shared>> -> memref<1x192x256xf32, #tpu.memory_space<vmem_shared>>
        %dma_start3A_283 = tpu.memref_squeeze %dma_start3A_282 : memref<1x192x256xf32, #tpu.memory_space<vmem_shared>> -> memref<192x256xf32, #tpu.memory_space<vmem_shared>>
        %dma_start3A_284 = arith.constant 384 : i32
        %dma_start3A_285 = arith.constant 0 : i32
        %dma_start3A_286 = tpu.memref_slice %arg2[%add3A_278, %dma_start3A_284, %dma_start3A_285] : memref<8x1016x256xf32, #tpu.memory_space<hbm>> -> memref<1x192x256xf32, #tpu.memory_space<hbm>>
        %dma_start3A_287 = tpu.memref_squeeze %dma_start3A_286 : memref<1x192x256xf32, #tpu.memory_space<hbm>> -> memref<192x256xf32, #tpu.memory_space<hbm>>
        tpu.enqueue_dma source(%dma_start3A_287 : memref<192x256xf32, #tpu.memory_space<hbm>>) target(%dma_start3A_283 : memref<192x256xf32, #tpu.memory_space<vmem_shared>>) target_semaphore(%run_scoped3A_279 : memref<!tpu.dma_semaphore, #tpu.memory_space<semaphore_mem>>)
        %dma_wait3A_288 = arith.constant 384 : i32
        %dma_wait3A_289 = arith.constant 0 : i32
        %dma_wait3A_290 = tpu.memref_slice %arg4[%run_scoped3A, %dma_wait3A_288, %dma_wait3A_289] : memref<4x760x256xf32, #tpu.memory_space<vmem_shared>> -> memref<1x192x256xf32, #tpu.memory_space<vmem_shared>>
        %dma_wait3A_291 = tpu.memref_squeeze %dma_wait3A_290 : memref<1x192x256xf32, #tpu.memory_space<vmem_shared>> -> memref<192x256xf32, #tpu.memory_space<vmem_shared>>
        %dma_wait3A_292 = arith.constant 384 : i32
        %dma_wait3A_293 = arith.constant 0 : i32
        %dma_wait3A_294 = tpu.memref_slice %arg2[%add3A_278, %dma_wait3A_292, %dma_wait3A_293] : memref<8x1016x256xf32, #tpu.memory_space<hbm>> -> memref<1x192x256xf32, #tpu.memory_space<hbm>>
        %dma_wait3A_295 = tpu.memref_squeeze %dma_wait3A_294 : memref<1x192x256xf32, #tpu.memory_space<hbm>> -> memref<192x256xf32, #tpu.memory_space<hbm>>
        tpu.wait_dma2 semaphore(%run_scoped3A_279 : memref<!tpu.dma_semaphore, #tpu.memory_space<semaphore_mem>>) src(%dma_wait3A_295 : memref<192x256xf32, #tpu.memory_space<hbm>>) dst(%dma_wait3A_291 : memref<192x256xf32, #tpu.memory_space<vmem_shared>>)
        tpu.yield
      }) : () -> ()
    } else {
    }
    %eq3A_12 = arith.constant 3 : i32
    %eq3A_13 = arith.cmpi eq, %arg1, %eq3A_12 : i32
    %convert_element_type3A_14 = arith.extui %eq3A_13 : i1 to i32
    %cond3A_15 = arith.constant 0 : i32
    %cond3A_16 = arith.cmpi ne, %convert_element_type3A_14, %cond3A_15 : i32
    scf.if %cond3A_16 {
      %mul3A_275 = arith.constant 4 : i32
      %mul3A_276 = arith.muli %mul3A_275, %arg0 : i32
      %add3A_277 = arith.constant 0 : i32
      %add3A_278 = arith.addi %mul3A_276, %add3A_277 : i32
      %run_scoped3A = arith.constant 0 : i32
      "tpu.region"() ({
        %run_scoped3A_279 = tpu.sem_alloc : memref<!tpu.dma_semaphore, #tpu.memory_space<semaphore_mem>>
        %dma_start3A_280 = arith.constant 576 : i32
        %dma_start3A_281 = arith.constant 0 : i32
        %dma_start3A_282 = tpu.memref_slice %arg4[%run_scoped3A, %dma_start3A_280, %dma_start3A_281] : memref<4x760x256xf32, #tpu.memory_space<vmem_shared>> -> memref<1x184x256xf32, #tpu.memory_space<vmem_shared>>
        %dma_start3A_283 = tpu.memref_squeeze %dma_start3A_282 : memref<1x184x256xf32, #tpu.memory_space<vmem_shared>> -> memref<184x256xf32, #tpu.memory_space<vmem_shared>>
        %dma_start3A_284 = arith.constant 576 : i32
        %dma_start3A_285 = arith.constant 0 : i32
        %dma_start3A_286 = tpu.memref_slice %arg2[%add3A_278, %dma_start3A_284, %dma_start3A_285] : memref<8x1016x256xf32, #tpu.memory_space<hbm>> -> memref<1x184x256xf32, #tpu.memory_space<hbm>>
        %dma_start3A_287 = tpu.memref_squeeze %dma_start3A_286 : memref<1x184x256xf32, #tpu.memory_space<hbm>> -> memref<184x256xf32, #tpu.memory_space<hbm>>
        tpu.enqueue_dma source(%dma_start3A_287 : memref<184x256xf32, #tpu.memory_space<hbm>>) target(%dma_start3A_283 : memref<184x256xf32, #tpu.memory_space<vmem_shared>>) target_semaphore(%run_scoped3A_279 : memref<!tpu.dma_semaphore, #tpu.memory_space<semaphore_mem>>)
        %dma_wait3A_288 = arith.constant 576 : i32
        %dma_wait3A_289 = arith.constant 0 : i32
        %dma_wait3A_290 = tpu.memref_slice %arg4[%run_scoped3A, %dma_wait3A_288, %dma_wait3A_289] : memref<4x760x256xf32, #tpu.memory_space<vmem_shared>> -> memref<1x184x256xf32, #tpu.memory_space<vmem_shared>>
        %dma_wait3A_291 = tpu.memref_squeeze %dma_wait3A_290 : memref<1x184x256xf32, #tpu.memory_space<vmem_shared>> -> memref<184x256xf32, #tpu.memory_space<vmem_shared>>
        %dma_wait3A_292 = arith.constant 576 : i32
        %dma_wait3A_293 = arith.constant 0 : i32
        %dma_wait3A_294 = tpu.memref_slice %arg2[%add3A_278, %dma_wait3A_292, %dma_wait3A_293] : memref<8x1016x256xf32, #tpu.memory_space<hbm>> -> memref<1x184x256xf32, #tpu.memory_space<hbm>>
        %dma_wait3A_295 = tpu.memref_squeeze %dma_wait3A_294 : memref<1x184x256xf32, #tpu.memory_space<hbm>> -> memref<184x256xf32, #tpu.memory_space<hbm>>
        tpu.wait_dma2 semaphore(%run_scoped3A_279 : memref<!tpu.dma_semaphore, #tpu.memory_space<semaphore_mem>>) src(%dma_wait3A_295 : memref<184x256xf32, #tpu.memory_space<hbm>>) dst(%dma_wait3A_291 : memref<184x256xf32, #tpu.memory_space<vmem_shared>>)
        tpu.yield
      }) : () -> ()
    } else {
    }
    %eq3A_17 = arith.constant 4 : i32
    %eq3A_18 = arith.cmpi eq, %arg1, %eq3A_17 : i32
    %convert_element_type3A_19 = arith.extui %eq3A_18 : i1 to i32
    %cond3A_20 = arith.constant 0 : i32
    %cond3A_21 = arith.cmpi ne, %convert_element_type3A_19, %cond3A_20 : i32
    scf.if %cond3A_21 {
      %mul3A_275 = arith.constant 4 : i32
      %mul3A_276 = arith.muli %mul3A_275, %arg0 : i32
      %add3A_277 = arith.constant 1 : i32
      %add3A_278 = arith.addi %mul3A_276, %add3A_277 : i32
      %run_scoped3A = arith.constant 1 : i32
      "tpu.region"() ({
        %run_scoped3A_279 = tpu.sem_alloc : memref<!tpu.dma_semaphore, #tpu.memory_space<semaphore_mem>>
        %dma_start3A_280 = arith.constant 0 : i32
        %dma_start3A_281 = arith.constant 0 : i32
        %dma_start3A_282 = tpu.memref_slice %arg4[%run_scoped3A, %dma_start3A_280, %dma_start3A_281] : memref<4x760x256xf32, #tpu.memory_space<vmem_shared>> -> memref<1x192x256xf32, #tpu.memory_space<vmem_shared>>
        %dma_start3A_283 = tpu.memref_squeeze %dma_start3A_282 : memref<1x192x256xf32, #tpu.memory_space<vmem_shared>> -> memref<192x256xf32, #tpu.memory_space<vmem_shared>>
        %dma_start3A_284 = arith.constant 0 : i32
        %dma_start3A_285 = arith.constant 0 : i32
        %dma_start3A_286 = tpu.memref_slice %arg2[%add3A_278, %dma_start3A_284, %dma_start3A_285] : memref<8x1016x256xf32, #tpu.memory_space<hbm>> -> memref<1x192x256xf32, #tpu.memory_space<hbm>>
        %dma_start3A_287 = tpu.memref_squeeze %dma_start3A_286 : memref<1x192x256xf32, #tpu.memory_space<hbm>> -> memref<192x256xf32, #tpu.memory_space<hbm>>
        tpu.enqueue_dma source(%dma_start3A_287 : memref<192x256xf32, #tpu.memory_space<hbm>>) target(%dma_start3A_283 : memref<192x256xf32, #tpu.memory_space<vmem_shared>>) target_semaphore(%run_scoped3A_279 : memref<!tpu.dma_semaphore, #tpu.memory_space<semaphore_mem>>)
        %dma_wait3A_288 = arith.constant 0 : i32
        %dma_wait3A_289 = arith.constant 0 : i32
        %dma_wait3A_290 = tpu.memref_slice %arg4[%run_scoped3A, %dma_wait3A_288, %dma_wait3A_289] : memref<4x760x256xf32, #tpu.memory_space<vmem_shared>> -> memref<1x192x256xf32, #tpu.memory_space<vmem_shared>>
        %dma_wait3A_291 = tpu.memref_squeeze %dma_wait3A_290 : memref<1x192x256xf32, #tpu.memory_space<vmem_shared>> -> memref<192x256xf32, #tpu.memory_space<vmem_shared>>
        %dma_wait3A_292 = arith.constant 0 : i32
        %dma_wait3A_293 = arith.constant 0 : i32
        %dma_wait3A_294 = tpu.memref_slice %arg2[%add3A_278, %dma_wait3A_292, %dma_wait3A_293] : memref<8x1016x256xf32, #tpu.memory_space<hbm>> -> memref<1x192x256xf32, #tpu.memory_space<hbm>>
        %dma_wait3A_295 = tpu.memref_squeeze %dma_wait3A_294 : memref<1x192x256xf32, #tpu.memory_space<hbm>> -> memref<192x256xf32, #tpu.memory_space<hbm>>
        tpu.wait_dma2 semaphore(%run_scoped3A_279 : memref<!tpu.dma_semaphore, #tpu.memory_space<semaphore_mem>>) src(%dma_wait3A_295 : memref<192x256xf32, #tpu.memory_space<hbm>>) dst(%dma_wait3A_291 : memref<192x256xf32, #tpu.memory_space<vmem_shared>>)
        tpu.yield
      }) : () -> ()
    } else {
    }
    %eq3A_22 = arith.constant 5 : i32
    %eq3A_23 = arith.cmpi eq, %arg1, %eq3A_22 : i32
    %convert_element_type3A_24 = arith.extui %eq3A_23 : i1 to i32
    %cond3A_25 = arith.constant 0 : i32
    %cond3A_26 = arith.cmpi ne, %convert_element_type3A_24, %cond3A_25 : i32
    scf.if %cond3A_26 {
      %mul3A_275 = arith.constant 4 : i32
      %mul3A_276 = arith.muli %mul3A_275, %arg0 : i32
      %add3A_277 = arith.constant 1 : i32
      %add3A_278 = arith.addi %mul3A_276, %add3A_277 : i32
      %run_scoped3A = arith.constant 1 : i32
      "tpu.region"() ({
        %run_scoped3A_279 = tpu.sem_alloc : memref<!tpu.dma_semaphore, #tpu.memory_space<semaphore_mem>>
        %dma_start3A_280 = arith.constant 192 : i32
        %dma_start3A_281 = arith.constant 0 : i32
        %dma_start3A_282 = tpu.memref_slice %arg4[%run_scoped3A, %dma_start3A_280, %dma_start3A_281] : memref<4x760x256xf32, #tpu.memory_space<vmem_shared>> -> memref<1x192x256xf32, #tpu.memory_space<vmem_shared>>
        %dma_start3A_283 = tpu.memref_squeeze %dma_start3A_282 : memref<1x192x256xf32, #tpu.memory_space<vmem_shared>> -> memref<192x256xf32, #tpu.memory_space<vmem_shared>>
        %dma_start3A_284 = arith.constant 192 : i32
        %dma_start3A_285 = arith.constant 0 : i32
        %dma_start3A_286 = tpu.memref_slice %arg2[%add3A_278, %dma_start3A_284, %dma_start3A_285] : memref<8x1016x256xf32, #tpu.memory_space<hbm>> -> memref<1x192x256xf32, #tpu.memory_space<hbm>>
        %dma_start3A_287 = tpu.memref_squeeze %dma_start3A_286 : memref<1x192x256xf32, #tpu.memory_space<hbm>> -> memref<192x256xf32, #tpu.memory_space<hbm>>
        tpu.enqueue_dma source(%dma_start3A_287 : memref<192x256xf32, #tpu.memory_space<hbm>>) target(%dma_start3A_283 : memref<192x256xf32, #tpu.memory_space<vmem_shared>>) target_semaphore(%run_scoped3A_279 : memref<!tpu.dma_semaphore, #tpu.memory_space<semaphore_mem>>)
        %dma_wait3A_288 = arith.constant 192 : i32
        %dma_wait3A_289 = arith.constant 0 : i32
        %dma_wait3A_290 = tpu.memref_slice %arg4[%run_scoped3A, %dma_wait3A_288, %dma_wait3A_289] : memref<4x760x256xf32, #tpu.memory_space<vmem_shared>> -> memref<1x192x256xf32, #tpu.memory_space<vmem_shared>>
        %dma_wait3A_291 = tpu.memref_squeeze %dma_wait3A_290 : memref<1x192x256xf32, #tpu.memory_space<vmem_shared>> -> memref<192x256xf32, #tpu.memory_space<vmem_shared>>
        %dma_wait3A_292 = arith.constant 192 : i32
        %dma_wait3A_293 = arith.constant 0 : i32
        %dma_wait3A_294 = tpu.memref_slice %arg2[%add3A_278, %dma_wait3A_292, %dma_wait3A_293] : memref<8x1016x256xf32, #tpu.memory_space<hbm>> -> memref<1x192x256xf32, #tpu.memory_space<hbm>>
        %dma_wait3A_295 = tpu.memref_squeeze %dma_wait3A_294 : memref<1x192x256xf32, #tpu.memory_space<hbm>> -> memref<192x256xf32, #tpu.memory_space<hbm>>
        tpu.wait_dma2 semaphore(%run_scoped3A_279 : memref<!tpu.dma_semaphore, #tpu.memory_space<semaphore_mem>>) src(%dma_wait3A_295 : memref<192x256xf32, #tpu.memory_space<hbm>>) dst(%dma_wait3A_291 : memref<192x256xf32, #tpu.memory_space<vmem_shared>>)
        tpu.yield
      }) : () -> ()
    } else {
    }
    %eq3A_27 = arith.constant 6 : i32
    %eq3A_28 = arith.cmpi eq, %arg1, %eq3A_27 : i32
    %convert_element_type3A_29 = arith.extui %eq3A_28 : i1 to i32
    %cond3A_30 = arith.constant 0 : i32
    %cond3A_31 = arith.cmpi ne, %convert_element_type3A_29, %cond3A_30 : i32
    scf.if %cond3A_31 {
      %mul3A_275 = arith.constant 4 : i32
      %mul3A_276 = arith.muli %mul3A_275, %arg0 : i32
      %add3A_277 = arith.constant 1 : i32
      %add3A_278 = arith.addi %mul3A_276, %add3A_277 : i32
      %run_scoped3A = arith.constant 1 : i32
      "tpu.region"() ({
        %run_scoped3A_279 = tpu.sem_alloc : memref<!tpu.dma_semaphore, #tpu.memory_space<semaphore_mem>>
        %dma_start3A_280 = arith.constant 384 : i32
        %dma_start3A_281 = arith.constant 0 : i32
        %dma_start3A_282 = tpu.memref_slice %arg4[%run_scoped3A, %dma_start3A_280, %dma_start3A_281] : memref<4x760x256xf32, #tpu.memory_space<vmem_shared>> -> memref<1x192x256xf32, #tpu.memory_space<vmem_shared>>
        %dma_start3A_283 = tpu.memref_squeeze %dma_start3A_282 : memref<1x192x256xf32, #tpu.memory_space<vmem_shared>> -> memref<192x256xf32, #tpu.memory_space<vmem_shared>>
        %dma_start3A_284 = arith.constant 384 : i32
        %dma_start3A_285 = arith.constant 0 : i32
        %dma_start3A_286 = tpu.memref_slice %arg2[%add3A_278, %dma_start3A_284, %dma_start3A_285] : memref<8x1016x256xf32, #tpu.memory_space<hbm>> -> memref<1x192x256xf32, #tpu.memory_space<hbm>>
        %dma_start3A_287 = tpu.memref_squeeze %dma_start3A_286 : memref<1x192x256xf32, #tpu.memory_space<hbm>> -> memref<192x256xf32, #tpu.memory_space<hbm>>
        tpu.enqueue_dma source(%dma_start3A_287 : memref<192x256xf32, #tpu.memory_space<hbm>>) target(%dma_start3A_283 : memref<192x256xf32, #tpu.memory_space<vmem_shared>>) target_semaphore(%run_scoped3A_279 : memref<!tpu.dma_semaphore, #tpu.memory_space<semaphore_mem>>)
        %dma_wait3A_288 = arith.constant 384 : i32
        %dma_wait3A_289 = arith.constant 0 : i32
        %dma_wait3A_290 = tpu.memref_slice %arg4[%run_scoped3A, %dma_wait3A_288, %dma_wait3A_289] : memref<4x760x256xf32, #tpu.memory_space<vmem_shared>> -> memref<1x192x256xf32, #tpu.memory_space<vmem_shared>>
        %dma_wait3A_291 = tpu.memref_squeeze %dma_wait3A_290 : memref<1x192x256xf32, #tpu.memory_space<vmem_shared>> -> memref<192x256xf32, #tpu.memory_space<vmem_shared>>
        %dma_wait3A_292 = arith.constant 384 : i32
        %dma_wait3A_293 = arith.constant 0 : i32
        %dma_wait3A_294 = tpu.memref_slice %arg2[%add3A_278, %dma_wait3A_292, %dma_wait3A_293] : memref<8x1016x256xf32, #tpu.memory_space<hbm>> -> memref<1x192x256xf32, #tpu.memory_space<hbm>>
        %dma_wait3A_295 = tpu.memref_squeeze %dma_wait3A_294 : memref<1x192x256xf32, #tpu.memory_space<hbm>> -> memref<192x256xf32, #tpu.memory_space<hbm>>
        tpu.wait_dma2 semaphore(%run_scoped3A_279 : memref<!tpu.dma_semaphore, #tpu.memory_space<semaphore_mem>>) src(%dma_wait3A_295 : memref<192x256xf32, #tpu.memory_space<hbm>>) dst(%dma_wait3A_291 : memref<192x256xf32, #tpu.memory_space<vmem_shared>>)
        tpu.yield
      }) : () -> ()
    } else {
    }
    %eq3A_32 = arith.constant 7 : i32
    %eq3A_33 = arith.cmpi eq, %arg1, %eq3A_32 : i32
    %convert_element_type3A_34 = arith.extui %eq3A_33 : i1 to i32
    %cond3A_35 = arith.constant 0 : i32
    %cond3A_36 = arith.cmpi ne, %convert_element_type3A_34, %cond3A_35 : i32
    scf.if %cond3A_36 {
      %mul3A_275 = arith.constant 4 : i32
      %mul3A_276 = arith.muli %mul3A_275, %arg0 : i32
      %add3A_277 = arith.constant 1 : i32
      %add3A_278 = arith.addi %mul3A_276, %add3A_277 : i32
      %run_scoped3A = arith.constant 1 : i32
      "tpu.region"() ({
        %run_scoped3A_279 = tpu.sem_alloc : memref<!tpu.dma_semaphore, #tpu.memory_space<semaphore_mem>>
        %dma_start3A_280 = arith.constant 576 : i32
        %dma_start3A_281 = arith.constant 0 : i32
        %dma_start3A_282 = tpu.memref_slice %arg4[%run_scoped3A, %dma_start3A_280, %dma_start3A_281] : memref<4x760x256xf32, #tpu.memory_space<vmem_shared>> -> memref<1x184x256xf32, #tpu.memory_space<vmem_shared>>
        %dma_start3A_283 = tpu.memref_squeeze %dma_start3A_282 : memref<1x184x256xf32, #tpu.memory_space<vmem_shared>> -> memref<184x256xf32, #tpu.memory_space<vmem_shared>>
        %dma_start3A_284 = arith.constant 576 : i32
        %dma_start3A_285 = arith.constant 0 : i32
        %dma_start3A_286 = tpu.memref_slice %arg2[%add3A_278, %dma_start3A_284, %dma_start3A_285] : memref<8x1016x256xf32, #tpu.memory_space<hbm>> -> memref<1x184x256xf32, #tpu.memory_space<hbm>>
        %dma_start3A_287 = tpu.memref_squeeze %dma_start3A_286 : memref<1x184x256xf32, #tpu.memory_space<hbm>> -> memref<184x256xf32, #tpu.memory_space<hbm>>
        tpu.enqueue_dma source(%dma_start3A_287 : memref<184x256xf32, #tpu.memory_space<hbm>>) target(%dma_start3A_283 : memref<184x256xf32, #tpu.memory_space<vmem_shared>>) target_semaphore(%run_scoped3A_279 : memref<!tpu.dma_semaphore, #tpu.memory_space<semaphore_mem>>)
        %dma_wait3A_288 = arith.constant 576 : i32
        %dma_wait3A_289 = arith.constant 0 : i32
        %dma_wait3A_290 = tpu.memref_slice %arg4[%run_scoped3A, %dma_wait3A_288, %dma_wait3A_289] : memref<4x760x256xf32, #tpu.memory_space<vmem_shared>> -> memref<1x184x256xf32, #tpu.memory_space<vmem_shared>>
        %dma_wait3A_291 = tpu.memref_squeeze %dma_wait3A_290 : memref<1x184x256xf32, #tpu.memory_space<vmem_shared>> -> memref<184x256xf32, #tpu.memory_space<vmem_shared>>
        %dma_wait3A_292 = arith.constant 576 : i32
        %dma_wait3A_293 = arith.constant 0 : i32
        %dma_wait3A_294 = tpu.memref_slice %arg2[%add3A_278, %dma_wait3A_292, %dma_wait3A_293] : memref<8x1016x256xf32, #tpu.memory_space<hbm>> -> memref<1x184x256xf32, #tpu.memory_space<hbm>>
        %dma_wait3A_295 = tpu.memref_squeeze %dma_wait3A_294 : memref<1x184x256xf32, #tpu.memory_space<hbm>> -> memref<184x256xf32, #tpu.memory_space<hbm>>
        tpu.wait_dma2 semaphore(%run_scoped3A_279 : memref<!tpu.dma_semaphore, #tpu.memory_space<semaphore_mem>>) src(%dma_wait3A_295 : memref<184x256xf32, #tpu.memory_space<hbm>>) dst(%dma_wait3A_291 : memref<184x256xf32, #tpu.memory_space<vmem_shared>>)
        tpu.yield
      }) : () -> ()
    } else {
    }
    %eq3A_37 = arith.constant 8 : i32
    %eq3A_38 = arith.cmpi eq, %arg1, %eq3A_37 : i32
    %convert_element_type3A_39 = arith.extui %eq3A_38 : i1 to i32
    %cond3A_40 = arith.constant 0 : i32
    %cond3A_41 = arith.cmpi ne, %convert_element_type3A_39, %cond3A_40 : i32
    scf.if %cond3A_41 {
      %mul3A_275 = arith.constant 4 : i32
      %mul3A_276 = arith.muli %mul3A_275, %arg0 : i32
      %add3A_277 = arith.constant 2 : i32
      %add3A_278 = arith.addi %mul3A_276, %add3A_277 : i32
      %run_scoped3A = arith.constant 2 : i32
      "tpu.region"() ({
        %run_scoped3A_279 = tpu.sem_alloc : memref<!tpu.dma_semaphore, #tpu.memory_space<semaphore_mem>>
        %dma_start3A_280 = arith.constant 0 : i32
        %dma_start3A_281 = arith.constant 0 : i32
        %dma_start3A_282 = tpu.memref_slice %arg4[%run_scoped3A, %dma_start3A_280, %dma_start3A_281] : memref<4x760x256xf32, #tpu.memory_space<vmem_shared>> -> memref<1x192x256xf32, #tpu.memory_space<vmem_shared>>
        %dma_start3A_283 = tpu.memref_squeeze %dma_start3A_282 : memref<1x192x256xf32, #tpu.memory_space<vmem_shared>> -> memref<192x256xf32, #tpu.memory_space<vmem_shared>>
        %dma_start3A_284 = arith.constant 0 : i32
        %dma_start3A_285 = arith.constant 0 : i32
        %dma_start3A_286 = tpu.memref_slice %arg2[%add3A_278, %dma_start3A_284, %dma_start3A_285] : memref<8x1016x256xf32, #tpu.memory_space<hbm>> -> memref<1x192x256xf32, #tpu.memory_space<hbm>>
        %dma_start3A_287 = tpu.memref_squeeze %dma_start3A_286 : memref<1x192x256xf32, #tpu.memory_space<hbm>> -> memref<192x256xf32, #tpu.memory_space<hbm>>
        tpu.enqueue_dma source(%dma_start3A_287 : memref<192x256xf32, #tpu.memory_space<hbm>>) target(%dma_start3A_283 : memref<192x256xf32, #tpu.memory_space<vmem_shared>>) target_semaphore(%run_scoped3A_279 : memref<!tpu.dma_semaphore, #tpu.memory_space<semaphore_mem>>)
        %dma_wait3A_288 = arith.constant 0 : i32
        %dma_wait3A_289 = arith.constant 0 : i32
        %dma_wait3A_290 = tpu.memref_slice %arg4[%run_scoped3A, %dma_wait3A_288, %dma_wait3A_289] : memref<4x760x256xf32, #tpu.memory_space<vmem_shared>> -> memref<1x192x256xf32, #tpu.memory_space<vmem_shared>>
        %dma_wait3A_291 = tpu.memref_squeeze %dma_wait3A_290 : memref<1x192x256xf32, #tpu.memory_space<vmem_shared>> -> memref<192x256xf32, #tpu.memory_space<vmem_shared>>
        %dma_wait3A_292 = arith.constant 0 : i32
        %dma_wait3A_293 = arith.constant 0 : i32
        %dma_wait3A_294 = tpu.memref_slice %arg2[%add3A_278, %dma_wait3A_292, %dma_wait3A_293] : memref<8x1016x256xf32, #tpu.memory_space<hbm>> -> memref<1x192x256xf32, #tpu.memory_space<hbm>>
        %dma_wait3A_295 = tpu.memref_squeeze %dma_wait3A_294 : memref<1x192x256xf32, #tpu.memory_space<hbm>> -> memref<192x256xf32, #tpu.memory_space<hbm>>
        tpu.wait_dma2 semaphore(%run_scoped3A_279 : memref<!tpu.dma_semaphore, #tpu.memory_space<semaphore_mem>>) src(%dma_wait3A_295 : memref<192x256xf32, #tpu.memory_space<hbm>>) dst(%dma_wait3A_291 : memref<192x256xf32, #tpu.memory_space<vmem_shared>>)
        tpu.yield
      }) : () -> ()
    } else {
    }
    %eq3A_42 = arith.constant 9 : i32
    %eq3A_43 = arith.cmpi eq, %arg1, %eq3A_42 : i32
    %convert_element_type3A_44 = arith.extui %eq3A_43 : i1 to i32
    %cond3A_45 = arith.constant 0 : i32
    %cond3A_46 = arith.cmpi ne, %convert_element_type3A_44, %cond3A_45 : i32
    scf.if %cond3A_46 {
      %mul3A_275 = arith.constant 4 : i32
      %mul3A_276 = arith.muli %mul3A_275, %arg0 : i32
      %add3A_277 = arith.constant 2 : i32
      %add3A_278 = arith.addi %mul3A_276, %add3A_277 : i32
      %run_scoped3A = arith.constant 2 : i32
      "tpu.region"() ({
        %run_scoped3A_279 = tpu.sem_alloc : memref<!tpu.dma_semaphore, #tpu.memory_space<semaphore_mem>>
        %dma_start3A_280 = arith.constant 192 : i32
        %dma_start3A_281 = arith.constant 0 : i32
        %dma_start3A_282 = tpu.memref_slice %arg4[%run_scoped3A, %dma_start3A_280, %dma_start3A_281] : memref<4x760x256xf32, #tpu.memory_space<vmem_shared>> -> memref<1x192x256xf32, #tpu.memory_space<vmem_shared>>
        %dma_start3A_283 = tpu.memref_squeeze %dma_start3A_282 : memref<1x192x256xf32, #tpu.memory_space<vmem_shared>> -> memref<192x256xf32, #tpu.memory_space<vmem_shared>>
        %dma_start3A_284 = arith.constant 192 : i32
        %dma_start3A_285 = arith.constant 0 : i32
        %dma_start3A_286 = tpu.memref_slice %arg2[%add3A_278, %dma_start3A_284, %dma_start3A_285] : memref<8x1016x256xf32, #tpu.memory_space<hbm>> -> memref<1x192x256xf32, #tpu.memory_space<hbm>>
        %dma_start3A_287 = tpu.memref_squeeze %dma_start3A_286 : memref<1x192x256xf32, #tpu.memory_space<hbm>> -> memref<192x256xf32, #tpu.memory_space<hbm>>
        tpu.enqueue_dma source(%dma_start3A_287 : memref<192x256xf32, #tpu.memory_space<hbm>>) target(%dma_start3A_283 : memref<192x256xf32, #tpu.memory_space<vmem_shared>>) target_semaphore(%run_scoped3A_279 : memref<!tpu.dma_semaphore, #tpu.memory_space<semaphore_mem>>)
        %dma_wait3A_288 = arith.constant 192 : i32
        %dma_wait3A_289 = arith.constant 0 : i32
        %dma_wait3A_290 = tpu.memref_slice %arg4[%run_scoped3A, %dma_wait3A_288, %dma_wait3A_289] : memref<4x760x256xf32, #tpu.memory_space<vmem_shared>> -> memref<1x192x256xf32, #tpu.memory_space<vmem_shared>>
        %dma_wait3A_291 = tpu.memref_squeeze %dma_wait3A_290 : memref<1x192x256xf32, #tpu.memory_space<vmem_shared>> -> memref<192x256xf32, #tpu.memory_space<vmem_shared>>
        %dma_wait3A_292 = arith.constant 192 : i32
        %dma_wait3A_293 = arith.constant 0 : i32
        %dma_wait3A_294 = tpu.memref_slice %arg2[%add3A_278, %dma_wait3A_292, %dma_wait3A_293] : memref<8x1016x256xf32, #tpu.memory_space<hbm>> -> memref<1x192x256xf32, #tpu.memory_space<hbm>>
        %dma_wait3A_295 = tpu.memref_squeeze %dma_wait3A_294 : memref<1x192x256xf32, #tpu.memory_space<hbm>> -> memref<192x256xf32, #tpu.memory_space<hbm>>
        tpu.wait_dma2 semaphore(%run_scoped3A_279 : memref<!tpu.dma_semaphore, #tpu.memory_space<semaphore_mem>>) src(%dma_wait3A_295 : memref<192x256xf32, #tpu.memory_space<hbm>>) dst(%dma_wait3A_291 : memref<192x256xf32, #tpu.memory_space<vmem_shared>>)
        tpu.yield
      }) : () -> ()
    } else {
    }
    %eq3A_47 = arith.constant 10 : i32
    %eq3A_48 = arith.cmpi eq, %arg1, %eq3A_47 : i32
    %convert_element_type3A_49 = arith.extui %eq3A_48 : i1 to i32
    %cond3A_50 = arith.constant 0 : i32
    %cond3A_51 = arith.cmpi ne, %convert_element_type3A_49, %cond3A_50 : i32
    scf.if %cond3A_51 {
      %mul3A_275 = arith.constant 4 : i32
      %mul3A_276 = arith.muli %mul3A_275, %arg0 : i32
      %add3A_277 = arith.constant 2 : i32
      %add3A_278 = arith.addi %mul3A_276, %add3A_277 : i32
      %run_scoped3A = arith.constant 2 : i32
      "tpu.region"() ({
        %run_scoped3A_279 = tpu.sem_alloc : memref<!tpu.dma_semaphore, #tpu.memory_space<semaphore_mem>>
        %dma_start3A_280 = arith.constant 384 : i32
        %dma_start3A_281 = arith.constant 0 : i32
        %dma_start3A_282 = tpu.memref_slice %arg4[%run_scoped3A, %dma_start3A_280, %dma_start3A_281] : memref<4x760x256xf32, #tpu.memory_space<vmem_shared>> -> memref<1x192x256xf32, #tpu.memory_space<vmem_shared>>
        %dma_start3A_283 = tpu.memref_squeeze %dma_start3A_282 : memref<1x192x256xf32, #tpu.memory_space<vmem_shared>> -> memref<192x256xf32, #tpu.memory_space<vmem_shared>>
        %dma_start3A_284 = arith.constant 384 : i32
        %dma_start3A_285 = arith.constant 0 : i32
        %dma_start3A_286 = tpu.memref_slice %arg2[%add3A_278, %dma_start3A_284, %dma_start3A_285] : memref<8x1016x256xf32, #tpu.memory_space<hbm>> -> memref<1x192x256xf32, #tpu.memory_space<hbm>>
        %dma_start3A_287 = tpu.memref_squeeze %dma_start3A_286 : memref<1x192x256xf32, #tpu.memory_space<hbm>> -> memref<192x256xf32, #tpu.memory_space<hbm>>
        tpu.enqueue_dma source(%dma_start3A_287 : memref<192x256xf32, #tpu.memory_space<hbm>>) target(%dma_start3A_283 : memref<192x256xf32, #tpu.memory_space<vmem_shared>>) target_semaphore(%run_scoped3A_279 : memref<!tpu.dma_semaphore, #tpu.memory_space<semaphore_mem>>)
        %dma_wait3A_288 = arith.constant 384 : i32
        %dma_wait3A_289 = arith.constant 0 : i32
        %dma_wait3A_290 = tpu.memref_slice %arg4[%run_scoped3A, %dma_wait3A_288, %dma_wait3A_289] : memref<4x760x256xf32, #tpu.memory_space<vmem_shared>> -> memref<1x192x256xf32, #tpu.memory_space<vmem_shared>>
        %dma_wait3A_291 = tpu.memref_squeeze %dma_wait3A_290 : memref<1x192x256xf32, #tpu.memory_space<vmem_shared>> -> memref<192x256xf32, #tpu.memory_space<vmem_shared>>
        %dma_wait3A_292 = arith.constant 384 : i32
        %dma_wait3A_293 = arith.constant 0 : i32
        %dma_wait3A_294 = tpu.memref_slice %arg2[%add3A_278, %dma_wait3A_292, %dma_wait3A_293] : memref<8x1016x256xf32, #tpu.memory_space<hbm>> -> memref<1x192x256xf32, #tpu.memory_space<hbm>>
        %dma_wait3A_295 = tpu.memref_squeeze %dma_wait3A_294 : memref<1x192x256xf32, #tpu.memory_space<hbm>> -> memref<192x256xf32, #tpu.memory_space<hbm>>
        tpu.wait_dma2 semaphore(%run_scoped3A_279 : memref<!tpu.dma_semaphore, #tpu.memory_space<semaphore_mem>>) src(%dma_wait3A_295 : memref<192x256xf32, #tpu.memory_space<hbm>>) dst(%dma_wait3A_291 : memref<192x256xf32, #tpu.memory_space<vmem_shared>>)
        tpu.yield
      }) : () -> ()
    } else {
    }
    %eq3A_52 = arith.constant 11 : i32
    %eq3A_53 = arith.cmpi eq, %arg1, %eq3A_52 : i32
    %convert_element_type3A_54 = arith.extui %eq3A_53 : i1 to i32
    %cond3A_55 = arith.constant 0 : i32
    %cond3A_56 = arith.cmpi ne, %convert_element_type3A_54, %cond3A_55 : i32
    scf.if %cond3A_56 {
      %mul3A_275 = arith.constant 4 : i32
      %mul3A_276 = arith.muli %mul3A_275, %arg0 : i32
      %add3A_277 = arith.constant 2 : i32
      %add3A_278 = arith.addi %mul3A_276, %add3A_277 : i32
      %run_scoped3A = arith.constant 2 : i32
      "tpu.region"() ({
        %run_scoped3A_279 = tpu.sem_alloc : memref<!tpu.dma_semaphore, #tpu.memory_space<semaphore_mem>>
        %dma_start3A_280 = arith.constant 576 : i32
        %dma_start3A_281 = arith.constant 0 : i32
        %dma_start3A_282 = tpu.memref_slice %arg4[%run_scoped3A, %dma_start3A_280, %dma_start3A_281] : memref<4x760x256xf32, #tpu.memory_space<vmem_shared>> -> memref<1x184x256xf32, #tpu.memory_space<vmem_shared>>
        %dma_start3A_283 = tpu.memref_squeeze %dma_start3A_282 : memref<1x184x256xf32, #tpu.memory_space<vmem_shared>> -> memref<184x256xf32, #tpu.memory_space<vmem_shared>>
        %dma_start3A_284 = arith.constant 576 : i32
        %dma_start3A_285 = arith.constant 0 : i32
        %dma_start3A_286 = tpu.memref_slice %arg2[%add3A_278, %dma_start3A_284, %dma_start3A_285] : memref<8x1016x256xf32, #tpu.memory_space<hbm>> -> memref<1x184x256xf32, #tpu.memory_space<hbm>>
        %dma_start3A_287 = tpu.memref_squeeze %dma_start3A_286 : memref<1x184x256xf32, #tpu.memory_space<hbm>> -> memref<184x256xf32, #tpu.memory_space<hbm>>
        tpu.enqueue_dma source(%dma_start3A_287 : memref<184x256xf32, #tpu.memory_space<hbm>>) target(%dma_start3A_283 : memref<184x256xf32, #tpu.memory_space<vmem_shared>>) target_semaphore(%run_scoped3A_279 : memref<!tpu.dma_semaphore, #tpu.memory_space<semaphore_mem>>)
        %dma_wait3A_288 = arith.constant 576 : i32
        %dma_wait3A_289 = arith.constant 0 : i32
        %dma_wait3A_290 = tpu.memref_slice %arg4[%run_scoped3A, %dma_wait3A_288, %dma_wait3A_289] : memref<4x760x256xf32, #tpu.memory_space<vmem_shared>> -> memref<1x184x256xf32, #tpu.memory_space<vmem_shared>>
        %dma_wait3A_291 = tpu.memref_squeeze %dma_wait3A_290 : memref<1x184x256xf32, #tpu.memory_space<vmem_shared>> -> memref<184x256xf32, #tpu.memory_space<vmem_shared>>
        %dma_wait3A_292 = arith.constant 576 : i32
        %dma_wait3A_293 = arith.constant 0 : i32
        %dma_wait3A_294 = tpu.memref_slice %arg2[%add3A_278, %dma_wait3A_292, %dma_wait3A_293] : memref<8x1016x256xf32, #tpu.memory_space<hbm>> -> memref<1x184x256xf32, #tpu.memory_space<hbm>>
        %dma_wait3A_295 = tpu.memref_squeeze %dma_wait3A_294 : memref<1x184x256xf32, #tpu.memory_space<hbm>> -> memref<184x256xf32, #tpu.memory_space<hbm>>
        tpu.wait_dma2 semaphore(%run_scoped3A_279 : memref<!tpu.dma_semaphore, #tpu.memory_space<semaphore_mem>>) src(%dma_wait3A_295 : memref<184x256xf32, #tpu.memory_space<hbm>>) dst(%dma_wait3A_291 : memref<184x256xf32, #tpu.memory_space<vmem_shared>>)
        tpu.yield
      }) : () -> ()
    } else {
    }
    %eq3A_57 = arith.constant 12 : i32
    %eq3A_58 = arith.cmpi eq, %arg1, %eq3A_57 : i32
    %convert_element_type3A_59 = arith.extui %eq3A_58 : i1 to i32
    %cond3A_60 = arith.constant 0 : i32
    %cond3A_61 = arith.cmpi ne, %convert_element_type3A_59, %cond3A_60 : i32
    scf.if %cond3A_61 {
      %mul3A_275 = arith.constant 4 : i32
      %mul3A_276 = arith.muli %mul3A_275, %arg0 : i32
      %add3A_277 = arith.constant 3 : i32
      %add3A_278 = arith.addi %mul3A_276, %add3A_277 : i32
      %run_scoped3A = arith.constant 3 : i32
      "tpu.region"() ({
        %run_scoped3A_279 = tpu.sem_alloc : memref<!tpu.dma_semaphore, #tpu.memory_space<semaphore_mem>>
        %dma_start3A_280 = arith.constant 0 : i32
        %dma_start3A_281 = arith.constant 0 : i32
        %dma_start3A_282 = tpu.memref_slice %arg4[%run_scoped3A, %dma_start3A_280, %dma_start3A_281] : memref<4x760x256xf32, #tpu.memory_space<vmem_shared>> -> memref<1x192x256xf32, #tpu.memory_space<vmem_shared>>
        %dma_start3A_283 = tpu.memref_squeeze %dma_start3A_282 : memref<1x192x256xf32, #tpu.memory_space<vmem_shared>> -> memref<192x256xf32, #tpu.memory_space<vmem_shared>>
        %dma_start3A_284 = arith.constant 0 : i32
        %dma_start3A_285 = arith.constant 0 : i32
        %dma_start3A_286 = tpu.memref_slice %arg2[%add3A_278, %dma_start3A_284, %dma_start3A_285] : memref<8x1016x256xf32, #tpu.memory_space<hbm>> -> memref<1x192x256xf32, #tpu.memory_space<hbm>>
        %dma_start3A_287 = tpu.memref_squeeze %dma_start3A_286 : memref<1x192x256xf32, #tpu.memory_space<hbm>> -> memref<192x256xf32, #tpu.memory_space<hbm>>
        tpu.enqueue_dma source(%dma_start3A_287 : memref<192x256xf32, #tpu.memory_space<hbm>>) target(%dma_start3A_283 : memref<192x256xf32, #tpu.memory_space<vmem_shared>>) target_semaphore(%run_scoped3A_279 : memref<!tpu.dma_semaphore, #tpu.memory_space<semaphore_mem>>)
        %dma_wait3A_288 = arith.constant 0 : i32
        %dma_wait3A_289 = arith.constant 0 : i32
        %dma_wait3A_290 = tpu.memref_slice %arg4[%run_scoped3A, %dma_wait3A_288, %dma_wait3A_289] : memref<4x760x256xf32, #tpu.memory_space<vmem_shared>> -> memref<1x192x256xf32, #tpu.memory_space<vmem_shared>>
        %dma_wait3A_291 = tpu.memref_squeeze %dma_wait3A_290 : memref<1x192x256xf32, #tpu.memory_space<vmem_shared>> -> memref<192x256xf32, #tpu.memory_space<vmem_shared>>
        %dma_wait3A_292 = arith.constant 0 : i32
        %dma_wait3A_293 = arith.constant 0 : i32
        %dma_wait3A_294 = tpu.memref_slice %arg2[%add3A_278, %dma_wait3A_292, %dma_wait3A_293] : memref<8x1016x256xf32, #tpu.memory_space<hbm>> -> memref<1x192x256xf32, #tpu.memory_space<hbm>>
        %dma_wait3A_295 = tpu.memref_squeeze %dma_wait3A_294 : memref<1x192x256xf32, #tpu.memory_space<hbm>> -> memref<192x256xf32, #tpu.memory_space<hbm>>
        tpu.wait_dma2 semaphore(%run_scoped3A_279 : memref<!tpu.dma_semaphore, #tpu.memory_space<semaphore_mem>>) src(%dma_wait3A_295 : memref<192x256xf32, #tpu.memory_space<hbm>>) dst(%dma_wait3A_291 : memref<192x256xf32, #tpu.memory_space<vmem_shared>>)
        tpu.yield
      }) : () -> ()
    } else {
    }
    %eq3A_62 = arith.constant 13 : i32
    %eq3A_63 = arith.cmpi eq, %arg1, %eq3A_62 : i32
    %convert_element_type3A_64 = arith.extui %eq3A_63 : i1 to i32
    %cond3A_65 = arith.constant 0 : i32
    %cond3A_66 = arith.cmpi ne, %convert_element_type3A_64, %cond3A_65 : i32
    scf.if %cond3A_66 {
      %mul3A_275 = arith.constant 4 : i32
      %mul3A_276 = arith.muli %mul3A_275, %arg0 : i32
      %add3A_277 = arith.constant 3 : i32
      %add3A_278 = arith.addi %mul3A_276, %add3A_277 : i32
      %run_scoped3A = arith.constant 3 : i32
      "tpu.region"() ({
        %run_scoped3A_279 = tpu.sem_alloc : memref<!tpu.dma_semaphore, #tpu.memory_space<semaphore_mem>>
        %dma_start3A_280 = arith.constant 192 : i32
        %dma_start3A_281 = arith.constant 0 : i32
        %dma_start3A_282 = tpu.memref_slice %arg4[%run_scoped3A, %dma_start3A_280, %dma_start3A_281] : memref<4x760x256xf32, #tpu.memory_space<vmem_shared>> -> memref<1x192x256xf32, #tpu.memory_space<vmem_shared>>
        %dma_start3A_283 = tpu.memref_squeeze %dma_start3A_282 : memref<1x192x256xf32, #tpu.memory_space<vmem_shared>> -> memref<192x256xf32, #tpu.memory_space<vmem_shared>>
        %dma_start3A_284 = arith.constant 192 : i32
        %dma_start3A_285 = arith.constant 0 : i32
        %dma_start3A_286 = tpu.memref_slice %arg2[%add3A_278, %dma_start3A_284, %dma_start3A_285] : memref<8x1016x256xf32, #tpu.memory_space<hbm>> -> memref<1x192x256xf32, #tpu.memory_space<hbm>>
        %dma_start3A_287 = tpu.memref_squeeze %dma_start3A_286 : memref<1x192x256xf32, #tpu.memory_space<hbm>> -> memref<192x256xf32, #tpu.memory_space<hbm>>
        tpu.enqueue_dma source(%dma_start3A_287 : memref<192x256xf32, #tpu.memory_space<hbm>>) target(%dma_start3A_283 : memref<192x256xf32, #tpu.memory_space<vmem_shared>>) target_semaphore(%run_scoped3A_279 : memref<!tpu.dma_semaphore, #tpu.memory_space<semaphore_mem>>)
        %dma_wait3A_288 = arith.constant 192 : i32
        %dma_wait3A_289 = arith.constant 0 : i32
        %dma_wait3A_290 = tpu.memref_slice %arg4[%run_scoped3A, %dma_wait3A_288, %dma_wait3A_289] : memref<4x760x256xf32, #tpu.memory_space<vmem_shared>> -> memref<1x192x256xf32, #tpu.memory_space<vmem_shared>>
        %dma_wait3A_291 = tpu.memref_squeeze %dma_wait3A_290 : memref<1x192x256xf32, #tpu.memory_space<vmem_shared>> -> memref<192x256xf32, #tpu.memory_space<vmem_shared>>
        %dma_wait3A_292 = arith.constant 192 : i32
        %dma_wait3A_293 = arith.constant 0 : i32
        %dma_wait3A_294 = tpu.memref_slice %arg2[%add3A_278, %dma_wait3A_292, %dma_wait3A_293] : memref<8x1016x256xf32, #tpu.memory_space<hbm>> -> memref<1x192x256xf32, #tpu.memory_space<hbm>>
        %dma_wait3A_295 = tpu.memref_squeeze %dma_wait3A_294 : memref<1x192x256xf32, #tpu.memory_space<hbm>> -> memref<192x256xf32, #tpu.memory_space<hbm>>
        tpu.wait_dma2 semaphore(%run_scoped3A_279 : memref<!tpu.dma_semaphore, #tpu.memory_space<semaphore_mem>>) src(%dma_wait3A_295 : memref<192x256xf32, #tpu.memory_space<hbm>>) dst(%dma_wait3A_291 : memref<192x256xf32, #tpu.memory_space<vmem_shared>>)
        tpu.yield
      }) : () -> ()
    } else {
    }
    %eq3A_67 = arith.constant 14 : i32
    %eq3A_68 = arith.cmpi eq, %arg1, %eq3A_67 : i32
    %convert_element_type3A_69 = arith.extui %eq3A_68 : i1 to i32
    %cond3A_70 = arith.constant 0 : i32
    %cond3A_71 = arith.cmpi ne, %convert_element_type3A_69, %cond3A_70 : i32
    scf.if %cond3A_71 {
      %mul3A_275 = arith.constant 4 : i32
      %mul3A_276 = arith.muli %mul3A_275, %arg0 : i32
      %add3A_277 = arith.constant 3 : i32
      %add3A_278 = arith.addi %mul3A_276, %add3A_277 : i32
      %run_scoped3A = arith.constant 3 : i32
      "tpu.region"() ({
        %run_scoped3A_279 = tpu.sem_alloc : memref<!tpu.dma_semaphore, #tpu.memory_space<semaphore_mem>>
        %dma_start3A_280 = arith.constant 384 : i32
        %dma_start3A_281 = arith.constant 0 : i32
        %dma_start3A_282 = tpu.memref_slice %arg4[%run_scoped3A, %dma_start3A_280, %dma_start3A_281] : memref<4x760x256xf32, #tpu.memory_space<vmem_shared>> -> memref<1x192x256xf32, #tpu.memory_space<vmem_shared>>
        %dma_start3A_283 = tpu.memref_squeeze %dma_start3A_282 : memref<1x192x256xf32, #tpu.memory_space<vmem_shared>> -> memref<192x256xf32, #tpu.memory_space<vmem_shared>>
        %dma_start3A_284 = arith.constant 384 : i32
        %dma_start3A_285 = arith.constant 0 : i32
        %dma_start3A_286 = tpu.memref_slice %arg2[%add3A_278, %dma_start3A_284, %dma_start3A_285] : memref<8x1016x256xf32, #tpu.memory_space<hbm>> -> memref<1x192x256xf32, #tpu.memory_space<hbm>>
        %dma_start3A_287 = tpu.memref_squeeze %dma_start3A_286 : memref<1x192x256xf32, #tpu.memory_space<hbm>> -> memref<192x256xf32, #tpu.memory_space<hbm>>
        tpu.enqueue_dma source(%dma_start3A_287 : memref<192x256xf32, #tpu.memory_space<hbm>>) target(%dma_start3A_283 : memref<192x256xf32, #tpu.memory_space<vmem_shared>>) target_semaphore(%run_scoped3A_279 : memref<!tpu.dma_semaphore, #tpu.memory_space<semaphore_mem>>)
        %dma_wait3A_288 = arith.constant 384 : i32
        %dma_wait3A_289 = arith.constant 0 : i32
        %dma_wait3A_290 = tpu.memref_slice %arg4[%run_scoped3A, %dma_wait3A_288, %dma_wait3A_289] : memref<4x760x256xf32, #tpu.memory_space<vmem_shared>> -> memref<1x192x256xf32, #tpu.memory_space<vmem_shared>>
        %dma_wait3A_291 = tpu.memref_squeeze %dma_wait3A_290 : memref<1x192x256xf32, #tpu.memory_space<vmem_shared>> -> memref<192x256xf32, #tpu.memory_space<vmem_shared>>
        %dma_wait3A_292 = arith.constant 384 : i32
        %dma_wait3A_293 = arith.constant 0 : i32
        %dma_wait3A_294 = tpu.memref_slice %arg2[%add3A_278, %dma_wait3A_292, %dma_wait3A_293] : memref<8x1016x256xf32, #tpu.memory_space<hbm>> -> memref<1x192x256xf32, #tpu.memory_space<hbm>>
        %dma_wait3A_295 = tpu.memref_squeeze %dma_wait3A_294 : memref<1x192x256xf32, #tpu.memory_space<hbm>> -> memref<192x256xf32, #tpu.memory_space<hbm>>
        tpu.wait_dma2 semaphore(%run_scoped3A_279 : memref<!tpu.dma_semaphore, #tpu.memory_space<semaphore_mem>>) src(%dma_wait3A_295 : memref<192x256xf32, #tpu.memory_space<hbm>>) dst(%dma_wait3A_291 : memref<192x256xf32, #tpu.memory_space<vmem_shared>>)
        tpu.yield
      }) : () -> ()
    } else {
    }
    %eq3A_72 = arith.constant 15 : i32
    %eq3A_73 = arith.cmpi eq, %arg1, %eq3A_72 : i32
    %convert_element_type3A_74 = arith.extui %eq3A_73 : i1 to i32
    %cond3A_75 = arith.constant 0 : i32
    %cond3A_76 = arith.cmpi ne, %convert_element_type3A_74, %cond3A_75 : i32
    scf.if %cond3A_76 {
      %mul3A_275 = arith.constant 4 : i32
      %mul3A_276 = arith.muli %mul3A_275, %arg0 : i32
      %add3A_277 = arith.constant 3 : i32
      %add3A_278 = arith.addi %mul3A_276, %add3A_277 : i32
      %run_scoped3A = arith.constant 3 : i32
      "tpu.region"() ({
        %run_scoped3A_279 = tpu.sem_alloc : memref<!tpu.dma_semaphore, #tpu.memory_space<semaphore_mem>>
        %dma_start3A_280 = arith.constant 576 : i32
        %dma_start3A_281 = arith.constant 0 : i32
        %dma_start3A_282 = tpu.memref_slice %arg4[%run_scoped3A, %dma_start3A_280, %dma_start3A_281] : memref<4x760x256xf32, #tpu.memory_space<vmem_shared>> -> memref<1x184x256xf32, #tpu.memory_space<vmem_shared>>
        %dma_start3A_283 = tpu.memref_squeeze %dma_start3A_282 : memref<1x184x256xf32, #tpu.memory_space<vmem_shared>> -> memref<184x256xf32, #tpu.memory_space<vmem_shared>>
        %dma_start3A_284 = arith.constant 576 : i32
        %dma_start3A_285 = arith.constant 0 : i32
        %dma_start3A_286 = tpu.memref_slice %arg2[%add3A_278, %dma_start3A_284, %dma_start3A_285] : memref<8x1016x256xf32, #tpu.memory_space<hbm>> -> memref<1x184x256xf32, #tpu.memory_space<hbm>>
        %dma_start3A_287 = tpu.memref_squeeze %dma_start3A_286 : memref<1x184x256xf32, #tpu.memory_space<hbm>> -> memref<184x256xf32, #tpu.memory_space<hbm>>
        tpu.enqueue_dma source(%dma_start3A_287 : memref<184x256xf32, #tpu.memory_space<hbm>>) target(%dma_start3A_283 : memref<184x256xf32, #tpu.memory_space<vmem_shared>>) target_semaphore(%run_scoped3A_279 : memref<!tpu.dma_semaphore, #tpu.memory_space<semaphore_mem>>)
        %dma_wait3A_288 = arith.constant 576 : i32
        %dma_wait3A_289 = arith.constant 0 : i32
        %dma_wait3A_290 = tpu.memref_slice %arg4[%run_scoped3A, %dma_wait3A_288, %dma_wait3A_289] : memref<4x760x256xf32, #tpu.memory_space<vmem_shared>> -> memref<1x184x256xf32, #tpu.memory_space<vmem_shared>>
        %dma_wait3A_291 = tpu.memref_squeeze %dma_wait3A_290 : memref<1x184x256xf32, #tpu.memory_space<vmem_shared>> -> memref<184x256xf32, #tpu.memory_space<vmem_shared>>
        %dma_wait3A_292 = arith.constant 576 : i32
        %dma_wait3A_293 = arith.constant 0 : i32
        %dma_wait3A_294 = tpu.memref_slice %arg2[%add3A_278, %dma_wait3A_292, %dma_wait3A_293] : memref<8x1016x256xf32, #tpu.memory_space<hbm>> -> memref<1x184x256xf32, #tpu.memory_space<hbm>>
        %dma_wait3A_295 = tpu.memref_squeeze %dma_wait3A_294 : memref<1x184x256xf32, #tpu.memory_space<hbm>> -> memref<184x256xf32, #tpu.memory_space<hbm>>
        tpu.wait_dma2 semaphore(%run_scoped3A_279 : memref<!tpu.dma_semaphore, #tpu.memory_space<semaphore_mem>>) src(%dma_wait3A_295 : memref<184x256xf32, #tpu.memory_space<hbm>>) dst(%dma_wait3A_291 : memref<184x256xf32, #tpu.memory_space<vmem_shared>>)
        tpu.yield
      }) : () -> ()
    } else {
    }
    %barrier3A = arith.constant 0 : index
    tpu.barrier barrier_id(%barrier3A)
    %mul3A = arith.constant 2 : i32
    %mul3A_77 = arith.muli %arg1, %mul3A : i32
    %add3A = arith.constant 0 : i32
    %add3A_78 = arith.addi %mul3A_77, %add3A : i32
    %mul3A_79 = arith.constant 8 : i32
    %mul3A_80 = arith.muli %add3A_78, %mul3A_79 : i32
    %mul3A_81 = arith.constant 4 : i32
    %mul3A_82 = arith.muli %mul3A_81, %arg0 : i32
    %add3A_83 = arith.addi %mul3A_80, %mul3A_82 : i32
    %add3A_84 = arith.constant 0 : i32
    %add3A_85 = arith.addi %add3A_83, %add3A_84 : i32
    %sub3A = arith.constant 511 : i32
    %sub3A_86 = arith.subi %sub3A, %add3A_85 : i32
    %multiple_of3A = tpu.assume_multiple %mul3A_80, 8 : i32
    %dma_start3A = arith.constant 0 : i32
    %dma_start3A_87 = arith.constant 0 : i32
    %dma_start3A_88 = arith.constant 0 : i32
    %dma_start3A_89 = tpu.memref_slice %arg3[%sub3A_86, %dma_start3A_87, %dma_start3A_88] : memref<512x512x256xf32, #tpu.memory_space<hbm>> -> memref<1x512x256xf32, #tpu.memory_space<hbm>>
    %dma_start3A_90 = tpu.memref_squeeze %dma_start3A_89 : memref<1x512x256xf32, #tpu.memory_space<hbm>> -> memref<512x256xf32, #tpu.memory_space<hbm>>
    %dma_start3A_91 = arith.constant 0 : i32
    %dma_start3A_92 = tpu.memref_slice %arg4[%dma_start3A, %multiple_of3A, %dma_start3A_91] : memref<4x760x256xf32, #tpu.memory_space<vmem_shared>> -> memref<1x512x256xf32, #tpu.memory_space<vmem_shared>>
    %dma_start3A_93 = tpu.memref_squeeze %dma_start3A_92 : memref<1x512x256xf32, #tpu.memory_space<vmem_shared>> -> memref<512x256xf32, #tpu.memory_space<vmem_shared>>
    tpu.enqueue_dma source(%dma_start3A_93 : memref<512x256xf32, #tpu.memory_space<vmem_shared>>) target(%dma_start3A_90 : memref<512x256xf32, #tpu.memory_space<hbm>>) target_semaphore(%arg5 : memref<!tpu.dma_semaphore, #tpu.memory_space<semaphore_mem>>)
    %mul3A_94 = arith.constant 4 : i32
    %mul3A_95 = arith.muli %mul3A_94, %arg0 : i32
    %add3A_96 = arith.addi %mul3A_80, %mul3A_95 : i32
    %add3A_97 = arith.constant 1 : i32
    %add3A_98 = arith.addi %add3A_96, %add3A_97 : i32
    %sub3A_99 = arith.constant 511 : i32
    %sub3A_100 = arith.subi %sub3A_99, %add3A_98 : i32
    %multiple_of3A_101 = tpu.assume_multiple %mul3A_80, 8 : i32
    %dma_start3A_102 = arith.constant 1 : i32
    %dma_start3A_103 = arith.constant 0 : i32
    %dma_start3A_104 = arith.constant 0 : i32
    %dma_start3A_105 = tpu.memref_slice %arg3[%sub3A_100, %dma_start3A_103, %dma_start3A_104] : memref<512x512x256xf32, #tpu.memory_space<hbm>> -> memref<1x512x256xf32, #tpu.memory_space<hbm>>
    %dma_start3A_106 = tpu.memref_squeeze %dma_start3A_105 : memref<1x512x256xf32, #tpu.memory_space<hbm>> -> memref<512x256xf32, #tpu.memory_space<hbm>>
    %dma_start3A_107 = arith.constant 0 : i32
    %dma_start3A_108 = tpu.memref_slice %arg4[%dma_start3A_102, %multiple_of3A_101, %dma_start3A_107] : memref<4x760x256xf32, #tpu.memory_space<vmem_shared>> -> memref<1x512x256xf32, #tpu.memory_space<vmem_shared>>
    %dma_start3A_109 = tpu.memref_squeeze %dma_start3A_108 : memref<1x512x256xf32, #tpu.memory_space<vmem_shared>> -> memref<512x256xf32, #tpu.memory_space<vmem_shared>>
    tpu.enqueue_dma source(%dma_start3A_109 : memref<512x256xf32, #tpu.memory_space<vmem_shared>>) target(%dma_start3A_106 : memref<512x256xf32, #tpu.memory_space<hbm>>) target_semaphore(%arg5 : memref<!tpu.dma_semaphore, #tpu.memory_space<semaphore_mem>>)
    %mul3A_110 = arith.constant 4 : i32
    %mul3A_111 = arith.muli %mul3A_110, %arg0 : i32
    %add3A_112 = arith.addi %mul3A_80, %mul3A_111 : i32
    %add3A_113 = arith.constant 2 : i32
    %add3A_114 = arith.addi %add3A_112, %add3A_113 : i32
    %sub3A_115 = arith.constant 511 : i32
    %sub3A_116 = arith.subi %sub3A_115, %add3A_114 : i32
    %multiple_of3A_117 = tpu.assume_multiple %mul3A_80, 8 : i32
    %dma_start3A_118 = arith.constant 2 : i32
    %dma_start3A_119 = arith.constant 0 : i32
    %dma_start3A_120 = arith.constant 0 : i32
    %dma_start3A_121 = tpu.memref_slice %arg3[%sub3A_116, %dma_start3A_119, %dma_start3A_120] : memref<512x512x256xf32, #tpu.memory_space<hbm>> -> memref<1x512x256xf32, #tpu.memory_space<hbm>>
    %dma_start3A_122 = tpu.memref_squeeze %dma_start3A_121 : memref<1x512x256xf32, #tpu.memory_space<hbm>> -> memref<512x256xf32, #tpu.memory_space<hbm>>
    %dma_start3A_123 = arith.constant 0 : i32
    %dma_start3A_124 = tpu.memref_slice %arg4[%dma_start3A_118, %multiple_of3A_117, %dma_start3A_123] : memref<4x760x256xf32, #tpu.memory_space<vmem_shared>> -> memref<1x512x256xf32, #tpu.memory_space<vmem_shared>>
    %dma_start3A_125 = tpu.memref_squeeze %dma_start3A_124 : memref<1x512x256xf32, #tpu.memory_space<vmem_shared>> -> memref<512x256xf32, #tpu.memory_space<vmem_shared>>
    tpu.enqueue_dma source(%dma_start3A_125 : memref<512x256xf32, #tpu.memory_space<vmem_shared>>) target(%dma_start3A_122 : memref<512x256xf32, #tpu.memory_space<hbm>>) target_semaphore(%arg5 : memref<!tpu.dma_semaphore, #tpu.memory_space<semaphore_mem>>)
    %mul3A_126 = arith.constant 4 : i32
    %mul3A_127 = arith.muli %mul3A_126, %arg0 : i32
    %add3A_128 = arith.addi %mul3A_80, %mul3A_127 : i32
    %add3A_129 = arith.constant 3 : i32
    %add3A_130 = arith.addi %add3A_128, %add3A_129 : i32
    %sub3A_131 = arith.constant 511 : i32
    %sub3A_132 = arith.subi %sub3A_131, %add3A_130 : i32
    %multiple_of3A_133 = tpu.assume_multiple %mul3A_80, 8 : i32
    %dma_start3A_134 = arith.constant 3 : i32
    %dma_start3A_135 = arith.constant 0 : i32
    %dma_start3A_136 = arith.constant 0 : i32
    %dma_start3A_137 = tpu.memref_slice %arg3[%sub3A_132, %dma_start3A_135, %dma_start3A_136] : memref<512x512x256xf32, #tpu.memory_space<hbm>> -> memref<1x512x256xf32, #tpu.memory_space<hbm>>
    %dma_start3A_138 = tpu.memref_squeeze %dma_start3A_137 : memref<1x512x256xf32, #tpu.memory_space<hbm>> -> memref<512x256xf32, #tpu.memory_space<hbm>>
    %dma_start3A_139 = arith.constant 0 : i32
    %dma_start3A_140 = tpu.memref_slice %arg4[%dma_start3A_134, %multiple_of3A_133, %dma_start3A_139] : memref<4x760x256xf32, #tpu.memory_space<vmem_shared>> -> memref<1x512x256xf32, #tpu.memory_space<vmem_shared>>
    %dma_start3A_141 = tpu.memref_squeeze %dma_start3A_140 : memref<1x512x256xf32, #tpu.memory_space<vmem_shared>> -> memref<512x256xf32, #tpu.memory_space<vmem_shared>>
    tpu.enqueue_dma source(%dma_start3A_141 : memref<512x256xf32, #tpu.memory_space<vmem_shared>>) target(%dma_start3A_138 : memref<512x256xf32, #tpu.memory_space<hbm>>) target_semaphore(%arg5 : memref<!tpu.dma_semaphore, #tpu.memory_space<semaphore_mem>>)
    %mul3A_142 = arith.constant 2 : i32
    %mul3A_143 = arith.muli %arg1, %mul3A_142 : i32
    %add3A_144 = arith.constant 1 : i32
    %add3A_145 = arith.addi %mul3A_143, %add3A_144 : i32
    %mul3A_146 = arith.constant 8 : i32
    %mul3A_147 = arith.muli %add3A_145, %mul3A_146 : i32
    %mul3A_148 = arith.constant 4 : i32
    %mul3A_149 = arith.muli %mul3A_148, %arg0 : i32
    %add3A_150 = arith.addi %mul3A_147, %mul3A_149 : i32
    %add3A_151 = arith.constant 0 : i32
    %add3A_152 = arith.addi %add3A_150, %add3A_151 : i32
    %sub3A_153 = arith.constant 511 : i32
    %sub3A_154 = arith.subi %sub3A_153, %add3A_152 : i32
    %multiple_of3A_155 = tpu.assume_multiple %mul3A_147, 8 : i32
    %dma_start3A_156 = arith.constant 0 : i32
    %dma_start3A_157 = arith.constant 0 : i32
    %dma_start3A_158 = arith.constant 0 : i32
    %dma_start3A_159 = tpu.memref_slice %arg3[%sub3A_154, %dma_start3A_157, %dma_start3A_158] : memref<512x512x256xf32, #tpu.memory_space<hbm>> -> memref<1x512x256xf32, #tpu.memory_space<hbm>>
    %dma_start3A_160 = tpu.memref_squeeze %dma_start3A_159 : memref<1x512x256xf32, #tpu.memory_space<hbm>> -> memref<512x256xf32, #tpu.memory_space<hbm>>
    %dma_start3A_161 = arith.constant 0 : i32
    %dma_start3A_162 = tpu.memref_slice %arg4[%dma_start3A_156, %multiple_of3A_155, %dma_start3A_161] : memref<4x760x256xf32, #tpu.memory_space<vmem_shared>> -> memref<1x512x256xf32, #tpu.memory_space<vmem_shared>>
    %dma_start3A_163 = tpu.memref_squeeze %dma_start3A_162 : memref<1x512x256xf32, #tpu.memory_space<vmem_shared>> -> memref<512x256xf32, #tpu.memory_space<vmem_shared>>
    tpu.enqueue_dma source(%dma_start3A_163 : memref<512x256xf32, #tpu.memory_space<vmem_shared>>) target(%dma_start3A_160 : memref<512x256xf32, #tpu.memory_space<hbm>>) target_semaphore(%arg5 : memref<!tpu.dma_semaphore, #tpu.memory_space<semaphore_mem>>)
    %mul3A_164 = arith.constant 4 : i32
    %mul3A_165 = arith.muli %mul3A_164, %arg0 : i32
    %add3A_166 = arith.addi %mul3A_147, %mul3A_165 : i32
    %add3A_167 = arith.constant 1 : i32
    %add3A_168 = arith.addi %add3A_166, %add3A_167 : i32
    %sub3A_169 = arith.constant 511 : i32
    %sub3A_170 = arith.subi %sub3A_169, %add3A_168 : i32
    %multiple_of3A_171 = tpu.assume_multiple %mul3A_147, 8 : i32
    %dma_start3A_172 = arith.constant 1 : i32
    %dma_start3A_173 = arith.constant 0 : i32
    %dma_start3A_174 = arith.constant 0 : i32
    %dma_start3A_175 = tpu.memref_slice %arg3[%sub3A_170, %dma_start3A_173, %dma_start3A_174] : memref<512x512x256xf32, #tpu.memory_space<hbm>> -> memref<1x512x256xf32, #tpu.memory_space<hbm>>
    %dma_start3A_176 = tpu.memref_squeeze %dma_start3A_175 : memref<1x512x256xf32, #tpu.memory_space<hbm>> -> memref<512x256xf32, #tpu.memory_space<hbm>>
    %dma_start3A_177 = arith.constant 0 : i32
    %dma_start3A_178 = tpu.memref_slice %arg4[%dma_start3A_172, %multiple_of3A_171, %dma_start3A_177] : memref<4x760x256xf32, #tpu.memory_space<vmem_shared>> -> memref<1x512x256xf32, #tpu.memory_space<vmem_shared>>
    %dma_start3A_179 = tpu.memref_squeeze %dma_start3A_178 : memref<1x512x256xf32, #tpu.memory_space<vmem_shared>> -> memref<512x256xf32, #tpu.memory_space<vmem_shared>>
    tpu.enqueue_dma source(%dma_start3A_179 : memref<512x256xf32, #tpu.memory_space<vmem_shared>>) target(%dma_start3A_176 : memref<512x256xf32, #tpu.memory_space<hbm>>) target_semaphore(%arg5 : memref<!tpu.dma_semaphore, #tpu.memory_space<semaphore_mem>>)
    %mul3A_180 = arith.constant 4 : i32
    %mul3A_181 = arith.muli %mul3A_180, %arg0 : i32
    %add3A_182 = arith.addi %mul3A_147, %mul3A_181 : i32
    %add3A_183 = arith.constant 2 : i32
    %add3A_184 = arith.addi %add3A_182, %add3A_183 : i32
    %sub3A_185 = arith.constant 511 : i32
    %sub3A_186 = arith.subi %sub3A_185, %add3A_184 : i32
    %multiple_of3A_187 = tpu.assume_multiple %mul3A_147, 8 : i32
    %dma_start3A_188 = arith.constant 2 : i32
    %dma_start3A_189 = arith.constant 0 : i32
    %dma_start3A_190 = arith.constant 0 : i32
    %dma_start3A_191 = tpu.memref_slice %arg3[%sub3A_186, %dma_start3A_189, %dma_start3A_190] : memref<512x512x256xf32, #tpu.memory_space<hbm>> -> memref<1x512x256xf32, #tpu.memory_space<hbm>>
    %dma_start3A_192 = tpu.memref_squeeze %dma_start3A_191 : memref<1x512x256xf32, #tpu.memory_space<hbm>> -> memref<512x256xf32, #tpu.memory_space<hbm>>
    %dma_start3A_193 = arith.constant 0 : i32
    %dma_start3A_194 = tpu.memref_slice %arg4[%dma_start3A_188, %multiple_of3A_187, %dma_start3A_193] : memref<4x760x256xf32, #tpu.memory_space<vmem_shared>> -> memref<1x512x256xf32, #tpu.memory_space<vmem_shared>>
    %dma_start3A_195 = tpu.memref_squeeze %dma_start3A_194 : memref<1x512x256xf32, #tpu.memory_space<vmem_shared>> -> memref<512x256xf32, #tpu.memory_space<vmem_shared>>
    tpu.enqueue_dma source(%dma_start3A_195 : memref<512x256xf32, #tpu.memory_space<vmem_shared>>) target(%dma_start3A_192 : memref<512x256xf32, #tpu.memory_space<hbm>>) target_semaphore(%arg5 : memref<!tpu.dma_semaphore, #tpu.memory_space<semaphore_mem>>)
    %mul3A_196 = arith.constant 4 : i32
    %mul3A_197 = arith.muli %mul3A_196, %arg0 : i32
    %add3A_198 = arith.addi %mul3A_147, %mul3A_197 : i32
    %add3A_199 = arith.constant 3 : i32
    %add3A_200 = arith.addi %add3A_198, %add3A_199 : i32
    %sub3A_201 = arith.constant 511 : i32
    %sub3A_202 = arith.subi %sub3A_201, %add3A_200 : i32
    %multiple_of3A_203 = tpu.assume_multiple %mul3A_147, 8 : i32
    %dma_start3A_204 = arith.constant 3 : i32
    %dma_start3A_205 = arith.constant 0 : i32
    %dma_start3A_206 = arith.constant 0 : i32
    %dma_start3A_207 = tpu.memref_slice %arg3[%sub3A_202, %dma_start3A_205, %dma_start3A_206] : memref<512x512x256xf32, #tpu.memory_space<hbm>> -> memref<1x512x256xf32, #tpu.memory_space<hbm>>
    %dma_start3A_208 = tpu.memref_squeeze %dma_start3A_207 : memref<1x512x256xf32, #tpu.memory_space<hbm>> -> memref<512x256xf32, #tpu.memory_space<hbm>>
    %dma_start3A_209 = arith.constant 0 : i32
    %dma_start3A_210 = tpu.memref_slice %arg4[%dma_start3A_204, %multiple_of3A_203, %dma_start3A_209] : memref<4x760x256xf32, #tpu.memory_space<vmem_shared>> -> memref<1x512x256xf32, #tpu.memory_space<vmem_shared>>
    %dma_start3A_211 = tpu.memref_squeeze %dma_start3A_210 : memref<1x512x256xf32, #tpu.memory_space<vmem_shared>> -> memref<512x256xf32, #tpu.memory_space<vmem_shared>>
    tpu.enqueue_dma source(%dma_start3A_211 : memref<512x256xf32, #tpu.memory_space<vmem_shared>>) target(%dma_start3A_208 : memref<512x256xf32, #tpu.memory_space<hbm>>) target_semaphore(%arg5 : memref<!tpu.dma_semaphore, #tpu.memory_space<semaphore_mem>>)
    %dma_wait3A = arith.constant 0 : i32
    %dma_wait3A_212 = arith.constant 0 : i32
    %dma_wait3A_213 = arith.constant 0 : i32
    %dma_wait3A_214 = tpu.memref_slice %arg3[%sub3A_86, %dma_wait3A_212, %dma_wait3A_213] : memref<512x512x256xf32, #tpu.memory_space<hbm>> -> memref<1x512x256xf32, #tpu.memory_space<hbm>>
    %dma_wait3A_215 = tpu.memref_squeeze %dma_wait3A_214 : memref<1x512x256xf32, #tpu.memory_space<hbm>> -> memref<512x256xf32, #tpu.memory_space<hbm>>
    %dma_wait3A_216 = arith.constant 0 : i32
    %dma_wait3A_217 = tpu.memref_slice %arg4[%dma_wait3A, %multiple_of3A, %dma_wait3A_216] : memref<4x760x256xf32, #tpu.memory_space<vmem_shared>> -> memref<1x512x256xf32, #tpu.memory_space<vmem_shared>>
    %dma_wait3A_218 = tpu.memref_squeeze %dma_wait3A_217 : memref<1x512x256xf32, #tpu.memory_space<vmem_shared>> -> memref<512x256xf32, #tpu.memory_space<vmem_shared>>
    tpu.wait_dma2 semaphore(%arg5 : memref<!tpu.dma_semaphore, #tpu.memory_space<semaphore_mem>>) src(%dma_wait3A_218 : memref<512x256xf32, #tpu.memory_space<vmem_shared>>) dst(%dma_wait3A_215 : memref<512x256xf32, #tpu.memory_space<hbm>>)
    %dma_wait3A_219 = arith.constant 1 : i32
    %dma_wait3A_220 = arith.constant 0 : i32
    %dma_wait3A_221 = arith.constant 0 : i32
    %dma_wait3A_222 = tpu.memref_slice %arg3[%sub3A_100, %dma_wait3A_220, %dma_wait3A_221] : memref<512x512x256xf32, #tpu.memory_space<hbm>> -> memref<1x512x256xf32, #tpu.memory_space<hbm>>
    %dma_wait3A_223 = tpu.memref_squeeze %dma_wait3A_222 : memref<1x512x256xf32, #tpu.memory_space<hbm>> -> memref<512x256xf32, #tpu.memory_space<hbm>>
    %dma_wait3A_224 = arith.constant 0 : i32
    %dma_wait3A_225 = tpu.memref_slice %arg4[%dma_wait3A_219, %multiple_of3A_101, %dma_wait3A_224] : memref<4x760x256xf32, #tpu.memory_space<vmem_shared>> -> memref<1x512x256xf32, #tpu.memory_space<vmem_shared>>
    %dma_wait3A_226 = tpu.memref_squeeze %dma_wait3A_225 : memref<1x512x256xf32, #tpu.memory_space<vmem_shared>> -> memref<512x256xf32, #tpu.memory_space<vmem_shared>>
    tpu.wait_dma2 semaphore(%arg5 : memref<!tpu.dma_semaphore, #tpu.memory_space<semaphore_mem>>) src(%dma_wait3A_226 : memref<512x256xf32, #tpu.memory_space<vmem_shared>>) dst(%dma_wait3A_223 : memref<512x256xf32, #tpu.memory_space<hbm>>)
    %dma_wait3A_227 = arith.constant 2 : i32
    %dma_wait3A_228 = arith.constant 0 : i32
    %dma_wait3A_229 = arith.constant 0 : i32
    %dma_wait3A_230 = tpu.memref_slice %arg3[%sub3A_116, %dma_wait3A_228, %dma_wait3A_229] : memref<512x512x256xf32, #tpu.memory_space<hbm>> -> memref<1x512x256xf32, #tpu.memory_space<hbm>>
    %dma_wait3A_231 = tpu.memref_squeeze %dma_wait3A_230 : memref<1x512x256xf32, #tpu.memory_space<hbm>> -> memref<512x256xf32, #tpu.memory_space<hbm>>
    %dma_wait3A_232 = arith.constant 0 : i32
    %dma_wait3A_233 = tpu.memref_slice %arg4[%dma_wait3A_227, %multiple_of3A_117, %dma_wait3A_232] : memref<4x760x256xf32, #tpu.memory_space<vmem_shared>> -> memref<1x512x256xf32, #tpu.memory_space<vmem_shared>>
    %dma_wait3A_234 = tpu.memref_squeeze %dma_wait3A_233 : memref<1x512x256xf32, #tpu.memory_space<vmem_shared>> -> memref<512x256xf32, #tpu.memory_space<vmem_shared>>
    tpu.wait_dma2 semaphore(%arg5 : memref<!tpu.dma_semaphore, #tpu.memory_space<semaphore_mem>>) src(%dma_wait3A_234 : memref<512x256xf32, #tpu.memory_space<vmem_shared>>) dst(%dma_wait3A_231 : memref<512x256xf32, #tpu.memory_space<hbm>>)
    %dma_wait3A_235 = arith.constant 3 : i32
    %dma_wait3A_236 = arith.constant 0 : i32
    %dma_wait3A_237 = arith.constant 0 : i32
    %dma_wait3A_238 = tpu.memref_slice %arg3[%sub3A_132, %dma_wait3A_236, %dma_wait3A_237] : memref<512x512x256xf32, #tpu.memory_space<hbm>> -> memref<1x512x256xf32, #tpu.memory_space<hbm>>
    %dma_wait3A_239 = tpu.memref_squeeze %dma_wait3A_238 : memref<1x512x256xf32, #tpu.memory_space<hbm>> -> memref<512x256xf32, #tpu.memory_space<hbm>>
    %dma_wait3A_240 = arith.constant 0 : i32
    %dma_wait3A_241 = tpu.memref_slice %arg4[%dma_wait3A_235, %multiple_of3A_133, %dma_wait3A_240] : memref<4x760x256xf32, #tpu.memory_space<vmem_shared>> -> memref<1x512x256xf32, #tpu.memory_space<vmem_shared>>
    %dma_wait3A_242 = tpu.memref_squeeze %dma_wait3A_241 : memref<1x512x256xf32, #tpu.memory_space<vmem_shared>> -> memref<512x256xf32, #tpu.memory_space<vmem_shared>>
    tpu.wait_dma2 semaphore(%arg5 : memref<!tpu.dma_semaphore, #tpu.memory_space<semaphore_mem>>) src(%dma_wait3A_242 : memref<512x256xf32, #tpu.memory_space<vmem_shared>>) dst(%dma_wait3A_239 : memref<512x256xf32, #tpu.memory_space<hbm>>)
    %dma_wait3A_243 = arith.constant 0 : i32
    %dma_wait3A_244 = arith.constant 0 : i32
    %dma_wait3A_245 = arith.constant 0 : i32
    %dma_wait3A_246 = tpu.memref_slice %arg3[%sub3A_154, %dma_wait3A_244, %dma_wait3A_245] : memref<512x512x256xf32, #tpu.memory_space<hbm>> -> memref<1x512x256xf32, #tpu.memory_space<hbm>>
    %dma_wait3A_247 = tpu.memref_squeeze %dma_wait3A_246 : memref<1x512x256xf32, #tpu.memory_space<hbm>> -> memref<512x256xf32, #tpu.memory_space<hbm>>
    %dma_wait3A_248 = arith.constant 0 : i32
    %dma_wait3A_249 = tpu.memref_slice %arg4[%dma_wait3A_243, %multiple_of3A_155, %dma_wait3A_248] : memref<4x760x256xf32, #tpu.memory_space<vmem_shared>> -> memref<1x512x256xf32, #tpu.memory_space<vmem_shared>>
    %dma_wait3A_250 = tpu.memref_squeeze %dma_wait3A_249 : memref<1x512x256xf32, #tpu.memory_space<vmem_shared>> -> memref<512x256xf32, #tpu.memory_space<vmem_shared>>
    tpu.wait_dma2 semaphore(%arg5 : memref<!tpu.dma_semaphore, #tpu.memory_space<semaphore_mem>>) src(%dma_wait3A_250 : memref<512x256xf32, #tpu.memory_space<vmem_shared>>) dst(%dma_wait3A_247 : memref<512x256xf32, #tpu.memory_space<hbm>>)
    %dma_wait3A_251 = arith.constant 1 : i32
    %dma_wait3A_252 = arith.constant 0 : i32
    %dma_wait3A_253 = arith.constant 0 : i32
    %dma_wait3A_254 = tpu.memref_slice %arg3[%sub3A_170, %dma_wait3A_252, %dma_wait3A_253] : memref<512x512x256xf32, #tpu.memory_space<hbm>> -> memref<1x512x256xf32, #tpu.memory_space<hbm>>
    %dma_wait3A_255 = tpu.memref_squeeze %dma_wait3A_254 : memref<1x512x256xf32, #tpu.memory_space<hbm>> -> memref<512x256xf32, #tpu.memory_space<hbm>>
    %dma_wait3A_256 = arith.constant 0 : i32
    %dma_wait3A_257 = tpu.memref_slice %arg4[%dma_wait3A_251, %multiple_of3A_171, %dma_wait3A_256] : memref<4x760x256xf32, #tpu.memory_space<vmem_shared>> -> memref<1x512x256xf32, #tpu.memory_space<vmem_shared>>
    %dma_wait3A_258 = tpu.memref_squeeze %dma_wait3A_257 : memref<1x512x256xf32, #tpu.memory_space<vmem_shared>> -> memref<512x256xf32, #tpu.memory_space<vmem_shared>>
    tpu.wait_dma2 semaphore(%arg5 : memref<!tpu.dma_semaphore, #tpu.memory_space<semaphore_mem>>) src(%dma_wait3A_258 : memref<512x256xf32, #tpu.memory_space<vmem_shared>>) dst(%dma_wait3A_255 : memref<512x256xf32, #tpu.memory_space<hbm>>)
    %dma_wait3A_259 = arith.constant 2 : i32
    %dma_wait3A_260 = arith.constant 0 : i32
    %dma_wait3A_261 = arith.constant 0 : i32
    %dma_wait3A_262 = tpu.memref_slice %arg3[%sub3A_186, %dma_wait3A_260, %dma_wait3A_261] : memref<512x512x256xf32, #tpu.memory_space<hbm>> -> memref<1x512x256xf32, #tpu.memory_space<hbm>>
    %dma_wait3A_263 = tpu.memref_squeeze %dma_wait3A_262 : memref<1x512x256xf32, #tpu.memory_space<hbm>> -> memref<512x256xf32, #tpu.memory_space<hbm>>
    %dma_wait3A_264 = arith.constant 0 : i32
    %dma_wait3A_265 = tpu.memref_slice %arg4[%dma_wait3A_259, %multiple_of3A_187, %dma_wait3A_264] : memref<4x760x256xf32, #tpu.memory_space<vmem_shared>> -> memref<1x512x256xf32, #tpu.memory_space<vmem_shared>>
    %dma_wait3A_266 = tpu.memref_squeeze %dma_wait3A_265 : memref<1x512x256xf32, #tpu.memory_space<vmem_shared>> -> memref<512x256xf32, #tpu.memory_space<vmem_shared>>
    tpu.wait_dma2 semaphore(%arg5 : memref<!tpu.dma_semaphore, #tpu.memory_space<semaphore_mem>>) src(%dma_wait3A_266 : memref<512x256xf32, #tpu.memory_space<vmem_shared>>) dst(%dma_wait3A_263 : memref<512x256xf32, #tpu.memory_space<hbm>>)
    %dma_wait3A_267 = arith.constant 3 : i32
    %dma_wait3A_268 = arith.constant 0 : i32
    %dma_wait3A_269 = arith.constant 0 : i32
    %dma_wait3A_270 = tpu.memref_slice %arg3[%sub3A_202, %dma_wait3A_268, %dma_wait3A_269] : memref<512x512x256xf32, #tpu.memory_space<hbm>> -> memref<1x512x256xf32, #tpu.memory_space<hbm>>
    %dma_wait3A_271 = tpu.memref_squeeze %dma_wait3A_270 : memref<1x512x256xf32, #tpu.memory_space<hbm>> -> memref<512x256xf32, #tpu.memory_space<hbm>>
    %dma_wait3A_272 = arith.constant 0 : i32
    %dma_wait3A_273 = tpu.memref_slice %arg4[%dma_wait3A_267, %multiple_of3A_203, %dma_wait3A_272] : memref<4x760x256xf32, #tpu.memory_space<vmem_shared>> -> memref<1x512x256xf32, #tpu.memory_space<vmem_shared>>
    %dma_wait3A_274 = tpu.memref_squeeze %dma_wait3A_273 : memref<1x512x256xf32, #tpu.memory_space<vmem_shared>> -> memref<512x256xf32, #tpu.memory_space<vmem_shared>>
    tpu.wait_dma2 semaphore(%arg5 : memref<!tpu.dma_semaphore, #tpu.memory_space<semaphore_mem>>) src(%dma_wait3A_274 : memref<512x256xf32, #tpu.memory_space<vmem_shared>>) dst(%dma_wait3A_271 : memref<512x256xf32, #tpu.memory_space<hbm>>)
    return
  }
}

module attributes {stable_mosaic.version = 14 : i64} {
  func.func @_tc_finish_body(%arg0: i32, %arg1: memref<8x1016x256xf32, #tpu.memory_space<vmem>>, %arg2: memref<512x512x256xf32, #tpu.memory_space<hbm>>, %arg3: memref<8x512x256xf32, #tpu.memory_space<vmem>>) attributes {dimension_semantics = [#tpu.dimension_semantics<arbitrary>], iteration_bounds = array<i64: 32>, scalar_prefetch = 0 : i64, scratch_operands = 0 : i64, tpu.core_type = #tpu.core_type<tc>, window_params = [{pipeline_mode = #tpu.pipeline_mode<synchronous>, transform_indices = @transform_0, window_bounds = array<i64: 8, 1016, 256>}, {}, {transform_indices = @transform_2, window_bounds = array<i64: 8, 512, 256>}]} {
    %mul3A = arith.constant 8 : i32
    %mul3A_0 = arith.muli %arg0, %mul3A : i32
    %add3A = arith.constant 0 : i32
    %add3A_1 = arith.addi %mul3A_0, %add3A : i32
    %sub3A = arith.constant 511 : i32
    %sub3A_2 = arith.subi %sub3A, %add3A_1 : i32
    %sub3A_3 = arith.constant 7 : i32
    %sub3A_4 = arith.subi %sub3A_2, %sub3A_3 : i32
    %multiple_of3A = tpu.assume_multiple %sub3A_4, 8 : i32
    %get3A = arith.constant 7 : index
    %get3A_5 = arith.index_cast %multiple_of3A : i32 to index
    %get3A_6 = arith.constant 0 : index
    %get3A_7 = vector.load %arg1[%get3A, %get3A_5, %get3A_6] : memref<8x1016x256xf32, #tpu.memory_space<vmem>>, vector<1x512x256xf32>
    %get3A_8 = vector.shape_cast %get3A_7 : vector<1x512x256xf32> to vector<512x256xf32>
    %swap3A = arith.constant 0 : index
    %swap3A_9 = arith.constant 0 : index
    %swap3A_10 = arith.constant 0 : index
    %swap3A_11 = vector.load %arg3[%swap3A, %swap3A_9, %swap3A_10] : memref<8x512x256xf32, #tpu.memory_space<vmem>>, vector<1x512x256xf32>
    %swap3A_12 = vector.shape_cast %swap3A_11 : vector<1x512x256xf32> to vector<512x256xf32>
    %swap3A_13 = vector.shape_cast %get3A_8 : vector<512x256xf32> to vector<1x512x256xf32>
    tpu.vector_store %arg3[%swap3A, %swap3A_9, %swap3A_10], %swap3A_13 {strides = array<i32>} : memref<8x512x256xf32, #tpu.memory_space<vmem>>, vector<1x512x256xf32>,
    %mul3A_14 = arith.constant 8 : i32
    %mul3A_15 = arith.muli %arg0, %mul3A_14 : i32
    %add3A_16 = arith.constant 1 : i32
    %add3A_17 = arith.addi %mul3A_15, %add3A_16 : i32
    %sub3A_18 = arith.constant 511 : i32
    %sub3A_19 = arith.subi %sub3A_18, %add3A_17 : i32
    %sub3A_20 = arith.constant 6 : i32
    %sub3A_21 = arith.subi %sub3A_19, %sub3A_20 : i32
    %multiple_of3A_22 = tpu.assume_multiple %sub3A_21, 8 : i32
    %get3A_23 = arith.constant 6 : index
    %get3A_24 = arith.index_cast %multiple_of3A_22 : i32 to index
    %get3A_25 = arith.constant 0 : index
    %get3A_26 = vector.load %arg1[%get3A_23, %get3A_24, %get3A_25] : memref<8x1016x256xf32, #tpu.memory_space<vmem>>, vector<1x512x256xf32>
    %get3A_27 = vector.shape_cast %get3A_26 : vector<1x512x256xf32> to vector<512x256xf32>
    %swap3A_28 = arith.constant 1 : index
    %swap3A_29 = arith.constant 0 : index
    %swap3A_30 = arith.constant 0 : index
    %swap3A_31 = vector.load %arg3[%swap3A_28, %swap3A_29, %swap3A_30] : memref<8x512x256xf32, #tpu.memory_space<vmem>>, vector<1x512x256xf32>
    %swap3A_32 = vector.shape_cast %swap3A_31 : vector<1x512x256xf32> to vector<512x256xf32>
    %swap3A_33 = vector.shape_cast %get3A_27 : vector<512x256xf32> to vector<1x512x256xf32>
    tpu.vector_store %arg3[%swap3A_28, %swap3A_29, %swap3A_30], %swap3A_33 {strides = array<i32>} : memref<8x512x256xf32, #tpu.memory_space<vmem>>, vector<1x512x256xf32>,
    %mul3A_34 = arith.constant 8 : i32
    %mul3A_35 = arith.muli %arg0, %mul3A_34 : i32
    %add3A_36 = arith.constant 2 : i32
    %add3A_37 = arith.addi %mul3A_35, %add3A_36 : i32
    %sub3A_38 = arith.constant 511 : i32
    %sub3A_39 = arith.subi %sub3A_38, %add3A_37 : i32
    %sub3A_40 = arith.constant 5 : i32
    %sub3A_41 = arith.subi %sub3A_39, %sub3A_40 : i32
    %multiple_of3A_42 = tpu.assume_multiple %sub3A_41, 8 : i32
    %get3A_43 = arith.constant 5 : index
    %get3A_44 = arith.index_cast %multiple_of3A_42 : i32 to index
    %get3A_45 = arith.constant 0 : index
    %get3A_46 = vector.load %arg1[%get3A_43, %get3A_44, %get3A_45] : memref<8x1016x256xf32, #tpu.memory_space<vmem>>, vector<1x512x256xf32>
    %get3A_47 = vector.shape_cast %get3A_46 : vector<1x512x256xf32> to vector<512x256xf32>
    %swap3A_48 = arith.constant 2 : index
    %swap3A_49 = arith.constant 0 : index
    %swap3A_50 = arith.constant 0 : index
    %swap3A_51 = vector.load %arg3[%swap3A_48, %swap3A_49, %swap3A_50] : memref<8x512x256xf32, #tpu.memory_space<vmem>>, vector<1x512x256xf32>
    %swap3A_52 = vector.shape_cast %swap3A_51 : vector<1x512x256xf32> to vector<512x256xf32>
    %swap3A_53 = vector.shape_cast %get3A_47 : vector<512x256xf32> to vector<1x512x256xf32>
    tpu.vector_store %arg3[%swap3A_48, %swap3A_49, %swap3A_50], %swap3A_53 {strides = array<i32>} : memref<8x512x256xf32, #tpu.memory_space<vmem>>, vector<1x512x256xf32>,
    %mul3A_54 = arith.constant 8 : i32
    %mul3A_55 = arith.muli %arg0, %mul3A_54 : i32
    %add3A_56 = arith.constant 3 : i32
    %add3A_57 = arith.addi %mul3A_55, %add3A_56 : i32
    %sub3A_58 = arith.constant 511 : i32
    %sub3A_59 = arith.subi %sub3A_58, %add3A_57 : i32
    %sub3A_60 = arith.constant 4 : i32
    %sub3A_61 = arith.subi %sub3A_59, %sub3A_60 : i32
    %multiple_of3A_62 = tpu.assume_multiple %sub3A_61, 8 : i32
    %get3A_63 = arith.constant 4 : index
    %get3A_64 = arith.index_cast %multiple_of3A_62 : i32 to index
    %get3A_65 = arith.constant 0 : index
    %get3A_66 = vector.load %arg1[%get3A_63, %get3A_64, %get3A_65] : memref<8x1016x256xf32, #tpu.memory_space<vmem>>, vector<1x512x256xf32>
    %get3A_67 = vector.shape_cast %get3A_66 : vector<1x512x256xf32> to vector<512x256xf32>
    %swap3A_68 = arith.constant 3 : index
    %swap3A_69 = arith.constant 0 : index
    %swap3A_70 = arith.constant 0 : index
    %swap3A_71 = vector.load %arg3[%swap3A_68, %swap3A_69, %swap3A_70] : memref<8x512x256xf32, #tpu.memory_space<vmem>>, vector<1x512x256xf32>
    %swap3A_72 = vector.shape_cast %swap3A_71 : vector<1x512x256xf32> to vector<512x256xf32>
    %swap3A_73 = vector.shape_cast %get3A_67 : vector<512x256xf32> to vector<1x512x256xf32>
    tpu.vector_store %arg3[%swap3A_68, %swap3A_69, %swap3A_70], %swap3A_73 {strides = array<i32>} : memref<8x512x256xf32, #tpu.memory_space<vmem>>, vector<1x512x256xf32>,
    %mul3A_74 = arith.constant 8 : i32
    %mul3A_75 = arith.muli %arg0, %mul3A_74 : i32
    %add3A_76 = arith.constant 4 : i32
    %add3A_77 = arith.addi %mul3A_75, %add3A_76 : i32
    %sub3A_78 = arith.constant 511 : i32
    %sub3A_79 = arith.subi %sub3A_78, %add3A_77 : i32
    %sub3A_80 = arith.constant 3 : i32
    %sub3A_81 = arith.subi %sub3A_79, %sub3A_80 : i32
    %multiple_of3A_82 = tpu.assume_multiple %sub3A_81, 8 : i32
    %get3A_83 = arith.constant 3 : index
    %get3A_84 = arith.index_cast %multiple_of3A_82 : i32 to index
    %get3A_85 = arith.constant 0 : index
    %get3A_86 = vector.load %arg1[%get3A_83, %get3A_84, %get3A_85] : memref<8x1016x256xf32, #tpu.memory_space<vmem>>, vector<1x512x256xf32>
    %get3A_87 = vector.shape_cast %get3A_86 : vector<1x512x256xf32> to vector<512x256xf32>
    %swap3A_88 = arith.constant 4 : index
    %swap3A_89 = arith.constant 0 : index
    %swap3A_90 = arith.constant 0 : index
    %swap3A_91 = vector.load %arg3[%swap3A_88, %swap3A_89, %swap3A_90] : memref<8x512x256xf32, #tpu.memory_space<vmem>>, vector<1x512x256xf32>
    %swap3A_92 = vector.shape_cast %swap3A_91 : vector<1x512x256xf32> to vector<512x256xf32>
    %swap3A_93 = vector.shape_cast %get3A_87 : vector<512x256xf32> to vector<1x512x256xf32>
    tpu.vector_store %arg3[%swap3A_88, %swap3A_89, %swap3A_90], %swap3A_93 {strides = array<i32>} : memref<8x512x256xf32, #tpu.memory_space<vmem>>, vector<1x512x256xf32>,
    %mul3A_94 = arith.constant 8 : i32
    %mul3A_95 = arith.muli %arg0, %mul3A_94 : i32
    %add3A_96 = arith.constant 5 : i32
    %add3A_97 = arith.addi %mul3A_95, %add3A_96 : i32
    %sub3A_98 = arith.constant 511 : i32
    %sub3A_99 = arith.subi %sub3A_98, %add3A_97 : i32
    %sub3A_100 = arith.constant 2 : i32
    %sub3A_101 = arith.subi %sub3A_99, %sub3A_100 : i32
    %multiple_of3A_102 = tpu.assume_multiple %sub3A_101, 8 : i32
    %get3A_103 = arith.constant 2 : index
    %get3A_104 = arith.index_cast %multiple_of3A_102 : i32 to index
    %get3A_105 = arith.constant 0 : index
    %get3A_106 = vector.load %arg1[%get3A_103, %get3A_104, %get3A_105] : memref<8x1016x256xf32, #tpu.memory_space<vmem>>, vector<1x512x256xf32>
    %get3A_107 = vector.shape_cast %get3A_106 : vector<1x512x256xf32> to vector<512x256xf32>
    %swap3A_108 = arith.constant 5 : index
    %swap3A_109 = arith.constant 0 : index
    %swap3A_110 = arith.constant 0 : index
    %swap3A_111 = vector.load %arg3[%swap3A_108, %swap3A_109, %swap3A_110] : memref<8x512x256xf32, #tpu.memory_space<vmem>>, vector<1x512x256xf32>
    %swap3A_112 = vector.shape_cast %swap3A_111 : vector<1x512x256xf32> to vector<512x256xf32>
    %swap3A_113 = vector.shape_cast %get3A_107 : vector<512x256xf32> to vector<1x512x256xf32>
    tpu.vector_store %arg3[%swap3A_108, %swap3A_109, %swap3A_110], %swap3A_113 {strides = array<i32>} : memref<8x512x256xf32, #tpu.memory_space<vmem>>, vector<1x512x256xf32>,
    %mul3A_114 = arith.constant 8 : i32
    %mul3A_115 = arith.muli %arg0, %mul3A_114 : i32
    %add3A_116 = arith.constant 6 : i32
    %add3A_117 = arith.addi %mul3A_115, %add3A_116 : i32
    %sub3A_118 = arith.constant 511 : i32
    %sub3A_119 = arith.subi %sub3A_118, %add3A_117 : i32
    %sub3A_120 = arith.constant 1 : i32
    %sub3A_121 = arith.subi %sub3A_119, %sub3A_120 : i32
    %multiple_of3A_122 = tpu.assume_multiple %sub3A_121, 8 : i32
    %get3A_123 = arith.constant 1 : index
    %get3A_124 = arith.index_cast %multiple_of3A_122 : i32 to index
    %get3A_125 = arith.constant 0 : index
    %get3A_126 = vector.load %arg1[%get3A_123, %get3A_124, %get3A_125] : memref<8x1016x256xf32, #tpu.memory_space<vmem>>, vector<1x512x256xf32>
    %get3A_127 = vector.shape_cast %get3A_126 : vector<1x512x256xf32> to vector<512x256xf32>
    %swap3A_128 = arith.constant 6 : index
    %swap3A_129 = arith.constant 0 : index
    %swap3A_130 = arith.constant 0 : index
    %swap3A_131 = vector.load %arg3[%swap3A_128, %swap3A_129, %swap3A_130] : memref<8x512x256xf32, #tpu.memory_space<vmem>>, vector<1x512x256xf32>
    %swap3A_132 = vector.shape_cast %swap3A_131 : vector<1x512x256xf32> to vector<512x256xf32>
    %swap3A_133 = vector.shape_cast %get3A_127 : vector<512x256xf32> to vector<1x512x256xf32>
    tpu.vector_store %arg3[%swap3A_128, %swap3A_129, %swap3A_130], %swap3A_133 {strides = array<i32>} : memref<8x512x256xf32, #tpu.memory_space<vmem>>, vector<1x512x256xf32>,
    %mul3A_134 = arith.constant 8 : i32
    %mul3A_135 = arith.muli %arg0, %mul3A_134 : i32
    %add3A_136 = arith.constant 7 : i32
    %add3A_137 = arith.addi %mul3A_135, %add3A_136 : i32
    %sub3A_138 = arith.constant 511 : i32
    %sub3A_139 = arith.subi %sub3A_138, %add3A_137 : i32
    %sub3A_140 = arith.constant 0 : i32
    %sub3A_141 = arith.subi %sub3A_139, %sub3A_140 : i32
    %multiple_of3A_142 = tpu.assume_multiple %sub3A_141, 8 : i32
    %get3A_143 = arith.constant 0 : index
    %get3A_144 = arith.index_cast %multiple_of3A_142 : i32 to index
    %get3A_145 = arith.constant 0 : index
    %get3A_146 = vector.load %arg1[%get3A_143, %get3A_144, %get3A_145] : memref<8x1016x256xf32, #tpu.memory_space<vmem>>, vector<1x512x256xf32>
    %get3A_147 = vector.shape_cast %get3A_146 : vector<1x512x256xf32> to vector<512x256xf32>
    %swap3A_148 = arith.constant 7 : index
    %swap3A_149 = arith.constant 0 : index
    %swap3A_150 = arith.constant 0 : index
    %swap3A_151 = vector.load %arg3[%swap3A_148, %swap3A_149, %swap3A_150] : memref<8x512x256xf32, #tpu.memory_space<vmem>>, vector<1x512x256xf32>
    %swap3A_152 = vector.shape_cast %swap3A_151 : vector<1x512x256xf32> to vector<512x256xf32>
    %swap3A_153 = vector.shape_cast %get3A_147 : vector<512x256xf32> to vector<1x512x256xf32>
    tpu.vector_store %arg3[%swap3A_148, %swap3A_149, %swap3A_150], %swap3A_153 {strides = array<i32>} : memref<8x512x256xf32, #tpu.memory_space<vmem>>, vector<1x512x256xf32>,
    return
  }
  func.func @transform_0(%arg0: i32) -> (i32, i32, i32) {
    %c0_i32 = arith.constant 0 : i32
    %c0_i32_0 = arith.constant 0 : i32
    %c0_i32_1 = arith.constant 0 : i32
    %c0_i32_2 = arith.constant 0 : i32
    return %c0_i32, %c0_i32_0, %c0_i32_1 : i32, i32, i32
  }
  func.func @transform_2(%arg0: i32) -> (i32, i32, i32) {
    %c0_i32 = arith.constant 0 : i32
    %c0_i32_0 = arith.constant 0 : i32
    %c0_i32_1 = arith.constant 0 : i32
    return %arg0, %c0_i32, %c0_i32_0 : i32, i32, i32
  }
}

module attributes {stable_mosaic.version = 14 : i64} {
  func.func @_prep_body(%arg0: i32, %arg1: memref<512x256xf32, #tpu.memory_space<vmem>>, %arg2: memref<512x256xf32, #tpu.memory_space<vmem>>, %arg3: memref<8x1016x256xf32, #tpu.memory_space<vmem>>) attributes {dimension_semantics = [#tpu.dimension_semantics<arbitrary>], iteration_bounds = array<i64: 1>, scalar_prefetch = 0 : i64, scratch_operands = 0 : i64, tpu.core_type = #tpu.core_type<tc>, window_params = [{transform_indices = @transform_0, window_bounds = array<i64: 512, 256>}, {transform_indices = @transform_1, window_bounds = array<i64: 512, 256>}, {pipeline_mode = #tpu.pipeline_mode<synchronous>, transform_indices = @transform_2, window_bounds = array<i64: 8, 1016, 256>}]} {
    %get3A = arith.constant 0 : index
    %get3A_0 = arith.constant 0 : index
    %get3A_1 = vector.load %arg1[%get3A, %get3A_0] : memref<512x256xf32, #tpu.memory_space<vmem>>, vector<512x256xf32>
    %swap3A = arith.constant 0 : index
    %swap3A_2 = arith.constant 0 : index
    %swap3A_3 = arith.constant 0 : index
    %swap3A_4 = vector.load %arg3[%swap3A, %swap3A_2, %swap3A_3] : memref<8x1016x256xf32, #tpu.memory_space<vmem>>, vector<1x512x256xf32>
    %swap3A_5 = vector.shape_cast %swap3A_4 : vector<1x512x256xf32> to vector<512x256xf32>
    %swap3A_6 = vector.shape_cast %get3A_1 : vector<512x256xf32> to vector<1x512x256xf32>
    tpu.vector_store %arg3[%swap3A, %swap3A_2, %swap3A_3], %swap3A_6 {strides = array<i32>} : memref<8x1016x256xf32, #tpu.memory_space<vmem>>, vector<1x512x256xf32>,
    %get3A_7 = arith.constant 0 : index
    %get3A_8 = arith.constant 0 : index
    %get3A_9 = vector.load %arg2[%get3A_7, %get3A_8] : memref<512x256xf32, #tpu.memory_space<vmem>>, vector<504x256xf32>
    %swap3A_10 = arith.constant 0 : index
    %swap3A_11 = arith.constant 512 : index
    %swap3A_12 = arith.constant 0 : index
    %swap3A_13 = vector.load %arg3[%swap3A_10, %swap3A_11, %swap3A_12] : memref<8x1016x256xf32, #tpu.memory_space<vmem>>, vector<1x504x256xf32>
    %swap3A_14 = vector.shape_cast %swap3A_13 : vector<1x504x256xf32> to vector<504x256xf32>
    %swap3A_15 = vector.shape_cast %get3A_9 : vector<504x256xf32> to vector<1x504x256xf32>
    tpu.vector_store %arg3[%swap3A_10, %swap3A_11, %swap3A_12], %swap3A_15 {strides = array<i32>} : memref<8x1016x256xf32, #tpu.memory_space<vmem>>, vector<1x504x256xf32>,
    %get3A_16 = arith.constant 1 : index
    %get3A_17 = arith.constant 0 : index
    %get3A_18 = vector.load %arg1[%get3A_16, %get3A_17] : memref<512x256xf32, #tpu.memory_space<vmem>>, vector<511x256xf32>
    %swap3A_19 = arith.constant 1 : index
    %swap3A_20 = arith.constant 0 : index
    %swap3A_21 = arith.constant 0 : index
    %swap3A_22 = vector.load %arg3[%swap3A_19, %swap3A_20, %swap3A_21] : memref<8x1016x256xf32, #tpu.memory_space<vmem>>, vector<1x511x256xf32>
    %swap3A_23 = vector.shape_cast %swap3A_22 : vector<1x511x256xf32> to vector<511x256xf32>
    %swap3A_24 = vector.shape_cast %get3A_18 : vector<511x256xf32> to vector<1x511x256xf32>
    tpu.vector_store %arg3[%swap3A_19, %swap3A_20, %swap3A_21], %swap3A_24 {strides = array<i32>} : memref<8x1016x256xf32, #tpu.memory_space<vmem>>, vector<1x511x256xf32>,
    %get3A_25 = arith.constant 0 : index
    %get3A_26 = arith.constant 0 : index
    %get3A_27 = vector.load %arg2[%get3A_25, %get3A_26] : memref<512x256xf32, #tpu.memory_space<vmem>>, vector<505x256xf32>
    %swap3A_28 = arith.constant 1 : index
    %swap3A_29 = arith.constant 511 : index
    %swap3A_30 = arith.constant 0 : index
    %swap3A_31 = vector.load %arg3[%swap3A_28, %swap3A_29, %swap3A_30] : memref<8x1016x256xf32, #tpu.memory_space<vmem>>, vector<1x505x256xf32>
    %swap3A_32 = vector.shape_cast %swap3A_31 : vector<1x505x256xf32> to vector<505x256xf32>
    %swap3A_33 = vector.shape_cast %get3A_27 : vector<505x256xf32> to vector<1x505x256xf32>
    tpu.vector_store %arg3[%swap3A_28, %swap3A_29, %swap3A_30], %swap3A_33 {strides = array<i32>} : memref<8x1016x256xf32, #tpu.memory_space<vmem>>, vector<1x505x256xf32>,
    %get3A_34 = arith.constant 2 : index
    %get3A_35 = arith.constant 0 : index
    %get3A_36 = vector.load %arg1[%get3A_34, %get3A_35] : memref<512x256xf32, #tpu.memory_space<vmem>>, vector<510x256xf32>
    %swap3A_37 = arith.constant 2 : index
    %swap3A_38 = arith.constant 0 : index
    %swap3A_39 = arith.constant 0 : index
    %swap3A_40 = vector.load %arg3[%swap3A_37, %swap3A_38, %swap3A_39] : memref<8x1016x256xf32, #tpu.memory_space<vmem>>, vector<1x510x256xf32>
    %swap3A_41 = vector.shape_cast %swap3A_40 : vector<1x510x256xf32> to vector<510x256xf32>
    %swap3A_42 = vector.shape_cast %get3A_36 : vector<510x256xf32> to vector<1x510x256xf32>
    tpu.vector_store %arg3[%swap3A_37, %swap3A_38, %swap3A_39], %swap3A_42 {strides = array<i32>} : memref<8x1016x256xf32, #tpu.memory_space<vmem>>, vector<1x510x256xf32>,
    %get3A_43 = arith.constant 0 : index
    %get3A_44 = arith.constant 0 : index
    %get3A_45 = vector.load %arg2[%get3A_43, %get3A_44] : memref<512x256xf32, #tpu.memory_space<vmem>>, vector<506x256xf32>
    %swap3A_46 = arith.constant 2 : index
    %swap3A_47 = arith.constant 510 : index
    %swap3A_48 = arith.constant 0 : index
    %swap3A_49 = vector.load %arg3[%swap3A_46, %swap3A_47, %swap3A_48] : memref<8x1016x256xf32, #tpu.memory_space<vmem>>, vector<1x506x256xf32>
    %swap3A_50 = vector.shape_cast %swap3A_49 : vector<1x506x256xf32> to vector<506x256xf32>
    %swap3A_51 = vector.shape_cast %get3A_45 : vector<506x256xf32> to vector<1x506x256xf32>
    tpu.vector_store %arg3[%swap3A_46, %swap3A_47, %swap3A_48], %swap3A_51 {strides = array<i32>} : memref<8x1016x256xf32, #tpu.memory_space<vmem>>, vector<1x506x256xf32>,
    %get3A_52 = arith.constant 3 : index
    %get3A_53 = arith.constant 0 : index
    %get3A_54 = vector.load %arg1[%get3A_52, %get3A_53] : memref<512x256xf32, #tpu.memory_space<vmem>>, vector<509x256xf32>
    %swap3A_55 = arith.constant 3 : index
    %swap3A_56 = arith.constant 0 : index
    %swap3A_57 = arith.constant 0 : index
    %swap3A_58 = vector.load %arg3[%swap3A_55, %swap3A_56, %swap3A_57] : memref<8x1016x256xf32, #tpu.memory_space<vmem>>, vector<1x509x256xf32>
    %swap3A_59 = vector.shape_cast %swap3A_58 : vector<1x509x256xf32> to vector<509x256xf32>
    %swap3A_60 = vector.shape_cast %get3A_54 : vector<509x256xf32> to vector<1x509x256xf32>
    tpu.vector_store %arg3[%swap3A_55, %swap3A_56, %swap3A_57], %swap3A_60 {strides = array<i32>} : memref<8x1016x256xf32, #tpu.memory_space<vmem>>, vector<1x509x256xf32>,
    %get3A_61 = arith.constant 0 : index
    %get3A_62 = arith.constant 0 : index
    %get3A_63 = vector.load %arg2[%get3A_61, %get3A_62] : memref<512x256xf32, #tpu.memory_space<vmem>>, vector<507x256xf32>
    %swap3A_64 = arith.constant 3 : index
    %swap3A_65 = arith.constant 509 : index
    %swap3A_66 = arith.constant 0 : index
    %swap3A_67 = vector.load %arg3[%swap3A_64, %swap3A_65, %swap3A_66] : memref<8x1016x256xf32, #tpu.memory_space<vmem>>, vector<1x507x256xf32>
    %swap3A_68 = vector.shape_cast %swap3A_67 : vector<1x507x256xf32> to vector<507x256xf32>
    %swap3A_69 = vector.shape_cast %get3A_63 : vector<507x256xf32> to vector<1x507x256xf32>
    tpu.vector_store %arg3[%swap3A_64, %swap3A_65, %swap3A_66], %swap3A_69 {strides = array<i32>} : memref<8x1016x256xf32, #tpu.memory_space<vmem>>, vector<1x507x256xf32>,
    %get3A_70 = arith.constant 4 : index
    %get3A_71 = arith.constant 0 : index
    %get3A_72 = vector.load %arg1[%get3A_70, %get3A_71] : memref<512x256xf32, #tpu.memory_space<vmem>>, vector<508x256xf32>
    %swap3A_73 = arith.constant 4 : index
    %swap3A_74 = arith.constant 0 : index
    %swap3A_75 = arith.constant 0 : index
    %swap3A_76 = vector.load %arg3[%swap3A_73, %swap3A_74, %swap3A_75] : memref<8x1016x256xf32, #tpu.memory_space<vmem>>, vector<1x508x256xf32>
    %swap3A_77 = vector.shape_cast %swap3A_76 : vector<1x508x256xf32> to vector<508x256xf32>
    %swap3A_78 = vector.shape_cast %get3A_72 : vector<508x256xf32> to vector<1x508x256xf32>
    tpu.vector_store %arg3[%swap3A_73, %swap3A_74, %swap3A_75], %swap3A_78 {strides = array<i32>} : memref<8x1016x256xf32, #tpu.memory_space<vmem>>, vector<1x508x256xf32>,
    %get3A_79 = arith.constant 0 : index
    %get3A_80 = arith.constant 0 : index
    %get3A_81 = vector.load %arg2[%get3A_79, %get3A_80] : memref<512x256xf32, #tpu.memory_space<vmem>>, vector<508x256xf32>
    %swap3A_82 = arith.constant 4 : index
    %swap3A_83 = arith.constant 508 : index
    %swap3A_84 = arith.constant 0 : index
    %swap3A_85 = vector.load %arg3[%swap3A_82, %swap3A_83, %swap3A_84] : memref<8x1016x256xf32, #tpu.memory_space<vmem>>, vector<1x508x256xf32>
    %swap3A_86 = vector.shape_cast %swap3A_85 : vector<1x508x256xf32> to vector<508x256xf32>
    %swap3A_87 = vector.shape_cast %get3A_81 : vector<508x256xf32> to vector<1x508x256xf32>
    tpu.vector_store %arg3[%swap3A_82, %swap3A_83, %swap3A_84], %swap3A_87 {strides = array<i32>} : memref<8x1016x256xf32, #tpu.memory_space<vmem>>, vector<1x508x256xf32>,
    %get3A_88 = arith.constant 5 : index
    %get3A_89 = arith.constant 0 : index
    %get3A_90 = vector.load %arg1[%get3A_88, %get3A_89] : memref<512x256xf32, #tpu.memory_space<vmem>>, vector<507x256xf32>
    %swap3A_91 = arith.constant 5 : index
    %swap3A_92 = arith.constant 0 : index
    %swap3A_93 = arith.constant 0 : index
    %swap3A_94 = vector.load %arg3[%swap3A_91, %swap3A_92, %swap3A_93] : memref<8x1016x256xf32, #tpu.memory_space<vmem>>, vector<1x507x256xf32>
    %swap3A_95 = vector.shape_cast %swap3A_94 : vector<1x507x256xf32> to vector<507x256xf32>
    %swap3A_96 = vector.shape_cast %get3A_90 : vector<507x256xf32> to vector<1x507x256xf32>
    tpu.vector_store %arg3[%swap3A_91, %swap3A_92, %swap3A_93], %swap3A_96 {strides = array<i32>} : memref<8x1016x256xf32, #tpu.memory_space<vmem>>, vector<1x507x256xf32>,
    %get3A_97 = arith.constant 0 : index
    %get3A_98 = arith.constant 0 : index
    %get3A_99 = vector.load %arg2[%get3A_97, %get3A_98] : memref<512x256xf32, #tpu.memory_space<vmem>>, vector<509x256xf32>
    %swap3A_100 = arith.constant 5 : index
    %swap3A_101 = arith.constant 507 : index
    %swap3A_102 = arith.constant 0 : index
    %swap3A_103 = vector.load %arg3[%swap3A_100, %swap3A_101, %swap3A_102] : memref<8x1016x256xf32, #tpu.memory_space<vmem>>, vector<1x509x256xf32>
    %swap3A_104 = vector.shape_cast %swap3A_103 : vector<1x509x256xf32> to vector<509x256xf32>
    %swap3A_105 = vector.shape_cast %get3A_99 : vector<509x256xf32> to vector<1x509x256xf32>
    tpu.vector_store %arg3[%swap3A_100, %swap3A_101, %swap3A_102], %swap3A_105 {strides = array<i32>} : memref<8x1016x256xf32, #tpu.memory_space<vmem>>, vector<1x509x256xf32>,
    %get3A_106 = arith.constant 6 : index
    %get3A_107 = arith.constant 0 : index
    %get3A_108 = vector.load %arg1[%get3A_106, %get3A_107] : memref<512x256xf32, #tpu.memory_space<vmem>>, vector<506x256xf32>
    %swap3A_109 = arith.constant 6 : index
    %swap3A_110 = arith.constant 0 : index
    %swap3A_111 = arith.constant 0 : index
    %swap3A_112 = vector.load %arg3[%swap3A_109, %swap3A_110, %swap3A_111] : memref<8x1016x256xf32, #tpu.memory_space<vmem>>, vector<1x506x256xf32>
    %swap3A_113 = vector.shape_cast %swap3A_112 : vector<1x506x256xf32> to vector<506x256xf32>
    %swap3A_114 = vector.shape_cast %get3A_108 : vector<506x256xf32> to vector<1x506x256xf32>
    tpu.vector_store %arg3[%swap3A_109, %swap3A_110, %swap3A_111], %swap3A_114 {strides = array<i32>} : memref<8x1016x256xf32, #tpu.memory_space<vmem>>, vector<1x506x256xf32>,
    %get3A_115 = arith.constant 0 : index
    %get3A_116 = arith.constant 0 : index
    %get3A_117 = vector.load %arg2[%get3A_115, %get3A_116] : memref<512x256xf32, #tpu.memory_space<vmem>>, vector<510x256xf32>
    %swap3A_118 = arith.constant 6 : index
    %swap3A_119 = arith.constant 506 : index
    %swap3A_120 = arith.constant 0 : index
    %swap3A_121 = vector.load %arg3[%swap3A_118, %swap3A_119, %swap3A_120] : memref<8x1016x256xf32, #tpu.memory_space<vmem>>, vector<1x510x256xf32>
    %swap3A_122 = vector.shape_cast %swap3A_121 : vector<1x510x256xf32> to vector<510x256xf32>
    %swap3A_123 = vector.shape_cast %get3A_117 : vector<510x256xf32> to vector<1x510x256xf32>
    tpu.vector_store %arg3[%swap3A_118, %swap3A_119, %swap3A_120], %swap3A_123 {strides = array<i32>} : memref<8x1016x256xf32, #tpu.memory_space<vmem>>, vector<1x510x256xf32>,
    %get3A_124 = arith.constant 7 : index
    %get3A_125 = arith.constant 0 : index
    %get3A_126 = vector.load %arg1[%get3A_124, %get3A_125] : memref<512x256xf32, #tpu.memory_space<vmem>>, vector<505x256xf32>
    %swap3A_127 = arith.constant 7 : index
    %swap3A_128 = arith.constant 0 : index
    %swap3A_129 = arith.constant 0 : index
    %swap3A_130 = vector.load %arg3[%swap3A_127, %swap3A_128, %swap3A_129] : memref<8x1016x256xf32, #tpu.memory_space<vmem>>, vector<1x505x256xf32>
    %swap3A_131 = vector.shape_cast %swap3A_130 : vector<1x505x256xf32> to vector<505x256xf32>
    %swap3A_132 = vector.shape_cast %get3A_126 : vector<505x256xf32> to vector<1x505x256xf32>
    tpu.vector_store %arg3[%swap3A_127, %swap3A_128, %swap3A_129], %swap3A_132 {strides = array<i32>} : memref<8x1016x256xf32, #tpu.memory_space<vmem>>, vector<1x505x256xf32>,
    %get3A_133 = arith.constant 0 : index
    %get3A_134 = arith.constant 0 : index
    %get3A_135 = vector.load %arg2[%get3A_133, %get3A_134] : memref<512x256xf32, #tpu.memory_space<vmem>>, vector<511x256xf32>
    %swap3A_136 = arith.constant 7 : index
    %swap3A_137 = arith.constant 505 : index
    %swap3A_138 = arith.constant 0 : index
    %swap3A_139 = vector.load %arg3[%swap3A_136, %swap3A_137, %swap3A_138] : memref<8x1016x256xf32, #tpu.memory_space<vmem>>, vector<1x511x256xf32>
    %swap3A_140 = vector.shape_cast %swap3A_139 : vector<1x511x256xf32> to vector<511x256xf32>
    %swap3A_141 = vector.shape_cast %get3A_135 : vector<511x256xf32> to vector<1x511x256xf32>
    tpu.vector_store %arg3[%swap3A_136, %swap3A_137, %swap3A_138], %swap3A_141 {strides = array<i32>} : memref<8x1016x256xf32, #tpu.memory_space<vmem>>, vector<1x511x256xf32>,
    return
  }
  func.func @transform_0(%arg0: i32) -> (i32, i32) {
    %c3_i32 = arith.constant 3 : i32
    %c0_i32 = arith.constant 0 : i32
    %c0_i32_0 = arith.constant 0 : i32
    return %c3_i32, %c0_i32 : i32, i32
  }
  func.func @transform_1(%arg0: i32) -> (i32, i32) {
    %c4_i32 = arith.constant 4 : i32
    %c0_i32 = arith.constant 0 : i32
    %c0_i32_0 = arith.constant 0 : i32
    return %c4_i32, %c0_i32 : i32, i32
  }
  func.func @transform_2(%arg0: i32) -> (i32, i32, i32) {
    %c0_i32 = arith.constant 0 : i32
    %c0_i32_0 = arith.constant 0 : i32
    %c0_i32_1 = arith.constant 0 : i32
    %c0_i32_2 = arith.constant 0 : i32
    return %c0_i32, %c0_i32_0, %c0_i32_1 : i32, i32, i32
  }
}

</mosaic_0001>

<sc_bundles>
// kernel: kernel.5.cloned.1.call-start
scs
__scs_entry_jumppad:
0x0: {  	(pc) =	sbr.rel $0x88, $3  }
0x1: {  	(tag) =	ssettag $0x0;
	lr =	simm.s32 $0x1  }
0x2: {  	[smem:$0x3FA0] =	sst lr;
	_ =	strace $0xD0000000  }
0x3: {  	_ = 	snop  }
0x4: {  	_ = 	snop  }
0x5: {  	_ = 	snop  }
0x6: {  	_ = 	snop  }
0x7: {  	_ = 	snop  }
__scs_overlays_trampoline_lowered:
0x8: {  	[smem:$0x3FAF] =	sst s0  }
0x9: {  	[smem:$0x3FB0] =	sst s1  }
0xa: {  	[smem:$0x3FB1] =	sst s2  }
0xb: {  	[smem:$0x3FB2] =	sst s3  }
0xc: {  	[smem:$0x3FB3] =	sst s4  }
0xd: {  	[smem:$0x3FB4] =	sst s5  }
0xe: {  	[smem:$0x3FB5] =	sst s6  }
0xf: {  	[smem:$0x3FB6] =	sst s7  }
0x10: {  	[smem:$0x3FB7] =	sst s8  }
0x11: {  	[smem:$0x3FB8] =	sst s9;
	s0 =	simm.s32 @!p0 $0x0  }
0x12: {  	s1 =	sld [smem:$0x3F9E];
	s0 =	simm.s32 @p0 $0x1  }
0x13: {  	[smem:$0x3FB9] =	sst s0;
	s0 =	simm.s32 @!p1 $0x0  }
0x14: {  	s2 =	sld [smem:$0x3F9D];
	s0 =	simm.s32 @p1 $0x1  }
0x15: {  	[smem:$0x3FBA] =	sst s0;
	s0 =	simm.s32 @!p2 $0x0  }
0x16: {  	s3 =	sld [smem:$0x3FDB];
	s0 =	simm.s32 @p2 $0x1  }
0x17: {  	s4 =	simm.s32 $0x1BF5;
	[smem:$0x3FBC] =	sst s0  }
0x18: {  	s0 =	sld [smem:$0x3F9F];
	_ =	swait.ge [sflag:s4], $0x0  }
0x19: {  	s7 =	sld [smem:$0x3FA0]  }
0x1a: {  	s8 =	sadd.s32 $0xFFFFE003, lr  }
0x1b: {  	s9 =	sadd.s32 $0xFFFFFEF7, lr;
	s5 =	simm.s32 $0xFFFFFFFF;
	p2 =	slt.u32 s8, $0xFFFFF086  }
0x1c: {  	p1 =	slt.u32 s9, $0xF7A;
	s5 =	simm.s32 @!p2 $0x0  }
0x1d: {  	s5 =	simm.s32 @p1 $0x1;
	p0 =	seq.s32 s7, s2  }
0x1e: {  	s7 =	smul.u32 @!p0 $0xF7A, s2;
	p2 =	seq.s32 @!p0 s5, $0x0  }
0x1f: {  	s9 =	smul.u32 $0xF7A, s1;
	s8 =	simm.s32 @!p0 $0x1BF5;
	p2 =	por !p2, p0  }
0x20: {  	[sflag:s8] =	ssyncset.s32 @!p0 $0xFFFFF086;
	s6 =	sadd.s32 @!p0 s3, s7;
	s7 =	simm.s32 @!p0 $0x108  }
0x21: {  	s3 =	sadd.s32 s3, s9;
	s6 =	sadd.s32 @!p0 $0x88, s6;
	s7 =	simm.s32 @p2 $0x1082  }
0x22: {  	[simem:s7], [sflag:s8] =	dma.local @!p0 [hbm:s6], $0xF7A  }
0x23: {  	s9 =	sor.u32 $0xD0000000, s2;
	s6 =	simm.s32 $0x108;
	_ =	swait.ge @!p0 [sflag:s8], $0x0  }
0x24: {  	s3 =	sadd.s32 $0x88, s3;
	s6 =	simm.s32 @!p1 $0x1082;
	[sflag:s4] =	ssyncset.s32 $0xFFFFF086  }
0x25: {  	[simem:s6], [sflag:s4] =	dma.local [hbm:s3], $0xF7A  }
0x26: {  	[smem:$0x3FA0] =	sst s1;
	(tag) =	ssettag s2;
	_ =	strace s9  }
0x27: {  	s1 =	sld [smem:$0x3FB0]  }
0x28: {  	s2 =	sld [smem:$0x3FB1]  }
0x29: {  	s4 =	sld [smem:$0x3FB3]  }
0x2a: {  	p0 =	seq.s32 s5, $0x0;
	s5 =	sld [smem:$0x3FB4]  }
0x2b: {  	s6 =	sld [smem:$0x3FB5]  }
0x2c: {  	s7 =	sld [smem:$0x3FB6]  }
0x2d: {  	s3 =	simm.s32 $0x108;
	s8 =	sld [smem:$0x3FB7]  }
0x2e: {  	s3 =	simm.s32 @!p0 $0x1082;
	s9 =	sld [smem:$0x3FB8]  }
0x2f: {  	lr =	sadd.s32 s0, s3;
	s0 =	sld [smem:$0x3FAF]  }
0x30: {  	s3 =	sld [smem:$0x3FB2]  }
0x31: {  	[smem:$0x3FBB] =	sst s10  }
0x32: {  	s10 =	sld [smem:$0x3FB9];
	_ =	sdelay $0x3  }
0x33: {  	p0 =	seq.s32 s10, $0x1;
	s10 =	sld [smem:$0x3FBB];
	_ =	sdelay $0x3  }
0x34: {  	[smem:$0x3FBB] =	sst s10  }
0x35: {  	s10 =	sld [smem:$0x3FBA];
	_ =	sdelay $0x3  }
0x36: {  	p1 =	seq.s32 s10, $0x1;
	s10 =	sld [smem:$0x3FBB];
	_ =	sdelay $0x3  }
0x37: {  	[smem:$0x3FBB] =	sst s10  }
0x38: {  	s10 =	sld [smem:$0x3FBC]  }
0x39: {  	_ = 	snop;
	(pc) =	sbr.ind lr, $3  }
0x3a: {  	_ = 	snop  }
0x3b: {  	_ = 	snop  }
0x3c: {  	p2 =	seq.s32 s10, $0x1;
	s10 =	sld [smem:$0x3FBB]  }
0x3d: {  	_ =	shalt  }
0x3e: {  	_ =	shalt  }
0x3f: {  	_ =	shalt  }
0x40: {  	_ =	shalt  }
0x41: {  	_ =	shalt  }
0x42: {  	_ =	shalt  }
0x43: {  	_ =	shalt  }
0x44: {  	_ =	shalt  }
0x45: {  	_ =	shalt  }
0x46: {  	_ =	shalt  }
0x47: {  	_ =	shalt  }
0x48: {  	_ =	shalt  }
0x49: {  	_ =	shalt  }
0x4a: {  	_ =	shalt  }
0x4b: {  	_ =	shalt  }
0x4c: {  	_ =	shalt  }
0x4d: {  	_ =	shalt  }
0x4e: {  	_ =	shalt  }
0x4f: {  	_ =	shalt  }
0x50: {  	_ =	shalt  }
0x51: {  	_ =	shalt  }
0x52: {  	_ =	shalt  }
0x53: {  	_ =	shalt  }
0x54: {  	_ =	shalt  }
0x55: {  	_ =	shalt  }
0x56: {  	_ =	shalt  }
0x57: {  	_ =	shalt  }
0x58: {  	_ =	shalt  }
0x59: {  	_ =	shalt  }
0x5a: {  	_ =	shalt  }
0x5b: {  	_ =	shalt  }
0x5c: {  	_ =	shalt  }
0x5d: {  	_ =	shalt  }
0x5e: {  	_ =	shalt  }
0x5f: {  	_ =	shalt  }
0x60: {  	_ =	shalt  }
0x61: {  	_ =	shalt  }
0x62: {  	_ =	shalt  }
0x63: {  	_ =	shalt  }
0x64: {  	_ =	shalt  }
0x65: {  	_ =	shalt  }
0x66: {  	_ =	shalt  }
0x67: {  	_ =	shalt  }
0x68: {  	_ =	shalt  }
0x69: {  	_ =	shalt  }
0x6a: {  	_ =	shalt  }
0x6b: {  	_ =	shalt  }
0x6c: {  	_ =	shalt  }
0x6d: {  	_ =	shalt  }
0x6e: {  	_ =	shalt  }
0x6f: {  	_ =	shalt  }
0x70: {  	_ =	shalt  }
0x71: {  	_ =	shalt  }
0x72: {  	_ =	shalt  }
0x73: {  	_ =	shalt  }
0x74: {  	_ =	shalt  }
0x75: {  	_ =	shalt  }
0x76: {  	_ =	shalt  }
0x77: {  	_ =	shalt  }
0x78: {  	_ =	shalt  }
0x79: {  	_ =	shalt  }
0x7a: {  	_ =	shalt  }
0x7b: {  	_ =	shalt  }
0x7c: {  	_ =	shalt  }
0x7d: {  	_ =	shalt  }
0x7e: {  	_ =	shalt  }
0x7f: {  	_ =	shalt  }
0x80: {  	_ =	shalt  }
0x81: {  	_ =	shalt  }
0x82: {  	_ =	shalt  }
0x83: {  	_ =	shalt  }
0x84: {  	_ =	shalt  }
0x85: {  	_ =	shalt  }
0x86: {  	_ =	shalt  }
0x87: {  	_ =	shalt  }
.Lfunc_end0:
.L_simem_size_0:
called_computation_lowered:
.L_overlay_start_0:
0x88: {  	s2 =	sld [smem:$0x3FD9]  }
0x89: {  	s3 =	sld [smem:$0x3FFE];
	_ =	sdelay $0x1  }
0x8a: {  	s1 =	srdreg.scid  }
0x8b: {  	s0 =	sand.u32 $0x1, s1  }
0x8c: {  	s17 =	sshll.u32 s0, $0xA;
	s2 =	sadd.s32 s3, s2  }
0x8d: {  	s2 =	sadd.s32 s2, s17  }
0x8e: {  	[smem:$0x3FC7] =	sst s2  }
0x8f: {  	_ = 	snop  }
0x90: {  	s2 =	sld [smem:$0x3FD0];
	(tm) =	ssettm $0x1  }
0x91: {  	s18 =	sld [smem:$0x3FFB];
	_ =	sdelay $0x3  }
0x92: {  	_ =	strace s18  }
0x93: {  	s3 =	sld [smem:$0x3FFC];
	_ =	sdelay $0x3  }
0x94: {  	_ =	strace s3  }
0x95: {  	s3 =	sld [smem:$0x3FFD];
	_ =	sdelay $0x3  }
0x96: {  	_ =	strace s3  }
0x97: {  	_ =	strace $0x8FFFFFFF  }
0x98: {  	s19 =	sld [smem:$0x3FDB];
	_ =	sdelay $0x1  }
0x99: {  	s4 =	simm.s32 $_scs_section_size  }
0x9a: {  	s5 =	simm.s32 $_size__tile_overlayer_lowered;
	s6 =	simm.s32 $_tile_overlayer_lowered  }
0x9b: {  	s22 =	simm.s32 $0x1BFF;
	s21 =	sshll.u32 s6, $0x1;
	s3 =	sadd.s32 s4, s19  }
0x9c: {  	s7 =	simm.s32 $0x0;
	s20 =	sshll.u32 s5, $0x1;
	s5 =	sadd.s32 s21, s3  }
0x9d: {  	[timem:s7], [sflag:s22] =	dma.local [hbm:s5], s20  }
0x9e: {  	_ =	swait.ge [sflag:s22], s20  }
0x9f: {  	s4 =	ssub.s32 $0x0, s20;
	[sflag:s22] =	ssyncset.done $0x0  }
0xa0: {  	[sflag:s22] =	ssyncadd.s32 s4;
	_ =	sdelay $0x1  }
0xa1: {  	s23 =	simm.s32 $0x1B8B  }
0xa2: {  	_ =	swait.ge [sflag:s23], $0x1  }
0xa3: {  	[sflag:s23] =	ssyncset.done $0x0  }
0xa4: {  	s25 =	simm.s32 $0x1B8E;
	s24 =	sld [smem:$0x3FFE];
	[sflag:s23] =	ssyncadd.s32 $0xFFFFFFFF  }
0xa5: {  	s26 =	simm.s32 $execute0_lowered;
	[smem:$0x3FD2] =	sst s25  }
0xa6: {  	s5 =	sshll.u32 s26, $0x1;
	_ =	strace $0x80000046;
	[dreg:$0x1] =	wrdreg $0xFFFFFFFF  }
0xa7: {  	s28 =	simm.s32 $_size_execute0_lowered;
	s3 =	sadd.s32 s3, s5;
	[dreg:$0x0] =	wrdreg $0x0  }
0xa8: {  	s5 =	sshll.u32 s28, $0x1;
	[dreg:$0x2] =	wrdreg s3  }
0xa9: {  	[dreg:$0x3] =	wrdreg s5  }
0xaa: {  	[dreg:$0x4] =	wrdreg $0xC0  }
0xab: {  	_ =	task [dreg:s7], $0x5FFFF  }
0xac: {  	[dreg:$0x1] =	wrdreg $0xFFFFFFFF  }
0xad: {  	[dreg:$0x0] =	wrdreg $0x60  }
0xae: {  	[dreg:$0x2] =	wrdreg s24  }
0xaf: {  	[dreg:$0x3] =	wrdreg s2  }
0xb0: {  	[dreg:$0x4] =	wrdreg $0x0  }
0xb1: {  	[dreg:$0x5] =	wrdreg $0x9  }
0xb2: {  	_ =	task.clear_ibuf [dreg:s7], $0x6FFFF;
	_ =	strace $0x90000046  }
0xb3: {  	s29 =	simm.s32 $0x9;
	_ =	strace $0x80000048  }
0xb4: {  	_ =	swait.ge [sflag:s29], $0x1  }
0xb5: {  	[sflag:s29] =	ssyncadd.s32 $0xFFFFFFFF  }
0xb6: {  	_ =	strace $0x90000048  }
0xb7: {  	_ =	sfence  }
0xb8: {  	s30 =	sld [smem:$0x0];
	_ =	sdelay $0x2  }
0xb9: {  	s31 =	sshll.u32 s1, $0xD;
	s1 =	sshrl.u32 s1, $0x2  }
0xba: {  	s3 =	sand.u32 $0x4000, s31;
	s1 =	sadd.s32 s1, s30  }
0xbb: {  	s0 =	sor.u32 s3, s0;
	s1 =	sshll.u32 s1, $0x11  }
0xbc: {  	s0 =	sor.u32 s1, s0  }
0xbd: {  	s0 =	sadd.s32 $0x8F2B, s0  }
0xbe: {  	[sflag:s0] =	ssyncadd.remote.s32 $0x1  }
0xbf: {  	_ =	sfence.sel $0xFFFF  }
0xc0: {  	[dreg:$0x0] =	wrdreg $0xFFFFFFFF;
	(pc) =	sbr.abs _section_cstart, $3  }
0xc1: {  	[dreg:$0x1] =	wrdreg $0xFFFFFFFF  }
0xc2: {  	_ =	task.clear_ibuf [dreg:s7], $0x2FFFF;
	_ =	strace $0x9FFFFFFF  }
0xc3: {  	(tm) =	ssettm $0x7FFFFFFF  }
tec
execute0_lowered:
.L_overlay_start_1:
0x0: {  	(tag) =	ssettag $0x1  }
0x1: {  	s3 =	stileid.u32  }
0x2: {  	p0 =	sgt.s32 s3, $0x3  }
0x3: {  	p2 =	sgt.s32 @p0 s3, $0x5  }
0x4: {  	p1 =	por !p2, !p0  }
0x5: {  	s1 =	rddreg [dreg:$0x0];
	s2 =	srdreg.scid;
	p3 =	seq.s32 @!p1 s3, $0x6  }
0x6: {  	s6 =	stileid.u32;
	p4 =	por p2, !p0;
	p1 =	por @p0 !p3, !p2  }
0x7: {  	p5 =	sgt.s32 @!p0 s3, $0x1;
	p4 =	seq.s32 @!p4 s3, $0x4;
	s0 =	simm.s32 @!p1 $0x0  }
0x8: {  	s0 =	simm.s32 @p1 $0x1;
	p1 =	por @p0 p3, !p2;
	p3 =	por p5, p0  }
0x9: {  	[smem:$0x7EB] =	sst s0;
	s0 =	simm.s32 @!p1 $0x0;
	p3 =	seq.s32 @!p3 s3, $0x0  }
0xa: {  	s0 =	simm.s32 @p1 $0x1;
	p1 =	por @p0 !p4, p2;
	s21 =	sld [smem:$0x7EB]  }
0xb: {  	p2 =	por @p0 p4, p2;
	[smem:$0x7EC] =	sst s0;
	s0 =	simm.s32 @!p1 $0x0  }
0xc: {  	p6 =	por @!p0 !p3, p5;
	s0 =	simm.s32 @p1 $0x1;
	p1 =	por !p5, p0  }
0xd: {  	p3 =	por @!p0 p3, p5;
	s22 =	sld [smem:$0x7EC];
	p1 =	seq.s32 @!p1 s3, $0x2  }
0xe: {  	p4 =	por @!p0 !p1, !p5;
	p1 =	por @!p0 p1, !p5;
	p5 =	seq.s32 s21, $0x1  }
0xf: {  	s31 =	rddreg [dreg:$0x2];
	s24 =	simm.s32 $0x0;
	p5 =	por p5, !p0  }
0x10: {  	s2 =	sand.u32 $0x1, s2;
	[smem:$0x7ED] =	sst s0;
	s0 =	simm.s32 @!p5 $0x0  }
0x11: {  	s23 =	sld [smem:$0x7ED];
	s0 =	simm.s32 @p5 $0x1;
	p5 =	seq.s32 s22, $0x1  }
0x12: {  	[smem:$0x7FF] =	sst s24;
	s1 =	sadd.s32 $0xA00, s1;
	p5 =	por p5, !p0  }
0x13: {  	s6 =	sshll.u32 s6, $0x4;
	[smem:$0x7F3] =	sst s0;
	s0 =	simm.s32 @!p5 $0x0  }
0x14: {  	s4 =	smul.u32 $0xFE000, s2;
	s0 =	simm.s32 @p5 $0x1;
	p5 =	seq.s32 s23, $0x1  }
0x15: {  	s9 =	ssub.s32 $0x2, s2;
	s19 =	smul.u32 $0x1FC00, s2;
	p5 =	por p5, !p0  }
0x16: {  	s2 =	sshll.u32 s2, $0x2;
	[smem:$0x7F4] =	sst s0;
	s0 =	simm.s32 @!p5 $0x0  }
0x17: {  	s10 =	sshrl.u32 s9, $0x1;
	p2 =	por p2, !p0;
	s0 =	simm.s32 @p5 $0x1  }
0x18: {  	s4 =	sshrl.u32 s4, $0x3;
	[smem:$0x7F5] =	sst s0;
	s0 =	simm.s32 @!p2 $0x0  }
0x19: {  	s4 =	sadd.s32 s1, s4;
	p4 =	por p4, p0;
	s0 =	simm.s32 @p2 $0x1  }
0x1a: {  	p6 =	por p6, p0;
	[smem:$0x7F6] =	sst s0;
	s0 =	simm.s32 @!p4 $0x0  }
0x1b: {  	p1 =	por p1, p0;
	p2 =	sgt.s32 s3, $0xB;
	s0 =	simm.s32 @p4 $0x1  }
0x1c: {  	p4 =	sgt.s32 @p2 s3, $0xD;
	[smem:$0x7F7] =	sst s0;
	s0 =	simm.s32 @!p1 $0x0  }
0x1d: {  	p0 =	por p3, p0;
	s0 =	simm.s32 @p1 $0x1;
	p1 =	por !p4, !p2  }
0x1e: {  	[smem:$0x7F8] =	sst s0;
	s0 =	simm.s32 @!p0 $0x0;
	p1 =	seq.s32 @!p1 s3, $0xE  }
0x1f: {  	s1 =	sadd.s32 s1, s19;
	s0 =	simm.s32 @p0 $0x1;
	p0 =	por @p2 !p1, !p4  }
0x20: {  	s11 =	sadd.s32 $0x1C500, s4;
	[smem:$0x7F9] =	sst s0;
	s0 =	simm.s32 @!p0 $0x0  }
0x21: {  	p5 =	por p4, !p2;
	s0 =	simm.s32 @p0 $0x1;
	p0 =	por @p2 p1, !p4  }
0x22: {  	p5 =	seq.s32 @!p5 s3, $0xC;
	[smem:$0x7EE] =	sst s0;
	s0 =	simm.s32 @!p0 $0x0  }
0x23: {  	s0 =	simm.s32 @p0 $0x1;
	p0 =	por @p2 !p5, p4;
	p4 =	por @p2 p5, p4  }
0x24: {  	p5 =	sgt.s32 @!p2 s3, $0x9;
	[smem:$0x7EF] =	sst s0;
	s0 =	simm.s32 @!p0 $0x0  }
0x25: {  	s12 =	sadd.s32 $0x1AD00, s4;
	s0 =	simm.s32 @p0 $0x1;
	p0 =	por !p5, p2  }
0x26: {  	s5 =	sld [smem:$0x7EE];
	p1 =	por p5, p2;
	p0 =	seq.s32 @!p0 s3, $0xA  }
0x27: {  	p1 =	seq.s32 @!p1 s3, $0x8;
	s25 =	sld [smem:$0x7EF];
	p3 =	por @!p2 !p0, !p5  }
0x28: {  	[smem:$0x7F0] =	sst s0;
	p0 =	por @!p2 p0, !p5;
	s3 =	simm.s32 @!p3 $0x0  }
0x29: {  	s3 =	simm.s32 @p3 $0x1;
	p3 =	por @!p2 !p1, p5;
	p1 =	por @!p2 p1, p5  }
0x2a: {  	p5 =	seq.s32 s5, $0x1;
	[smem:$0x7F1] =	sst s3;
	s3 =	simm.s32 @!p1 $0x0  }
0x2b: {  	s26 =	sld [smem:$0x7F0];
	s3 =	simm.s32 @p1 $0x1;
	p1 =	por p5, !p2  }
0x2c: {  	s0 =	rddreg [dreg:$0x1];
	p5 =	seq.s32 s25, $0x1;
	s5 =	simm.s32 @!p1 $0x0  }
0x2d: {  	s7 =	sld [smem:$0x7F1];
	s5 =	simm.s32 @p1 $0x1;
	p1 =	por p5, !p2  }
0x2e: {  	p5 =	seq.s32 s26, $0x1;
	[smem:$0x7FA] =	sst s5;
	s5 =	simm.s32 @!p1 $0x0  }
0x2f: {  	[smem:$0x7F2] =	sst s3;
	s5 =	simm.s32 @p1 $0x1;
	p1 =	por p5, !p2  }
0x30: {  	s13 =	sadd.s32 $0x19500, s4;
	[smem:$0x7FB] =	sst s5;
	s5 =	simm.s32 @!p1 $0x0  }
0x31: {  	s14 =	sadd.s32 $0x17D00, s4;
	s8 =	sld [smem:$0x7F2];
	s5 =	simm.s32 @p1 $0x1  }
0x32: {  	s15 =	sadd.s32 $0x14600, s4;
	s16 =	sadd.s32 $0x12E00, s4;
	[smem:$0x7FC] =	sst s5  }
0x33: {  	s17 =	sadd.s32 $0x11600, s4;
	_ =	strace $0x80000047;
	[dreg:$0x4] =	wrdreg s11  }
0x34: {  	s18 =	sadd.s32 $0xFE00, s4;
	s20 =	sadd.s32 $0xAF00, s4;
	[dreg:$0x5] =	wrdreg s12  }
0x35: {  	s21 =	sor.u32 s2, s6;
	s23 =	sor.u32 $0x8, s6;
	[dreg:$0x6] =	wrdreg s13  }
0x36: {  	s22 =	sshll.u32 s21, $0xE;
	s2 =	sor.u32 s2, s23;
	[dreg:$0x7] =	wrdreg s14  }
0x37: {  	s24 =	sxor.u32 $0x7FC000, s22;
	s2 =	sshll.u32 s2, $0xE;
	[dreg:$0x8] =	wrdreg s15  }
0x38: {  	p4 =	por p4, !p2;
	p0 =	por p0, p2;
	[dreg:$0x9] =	wrdreg s16  }
0x39: {  	s25 =	sxor.u32 $0x7F4000, s22;
	s3 =	ssub.s32 s9, s10;
	[dreg:$0xa] =	wrdreg s17  }
0x3a: {  	p5 =	seq.s32 s7, $0x1;
	s7 =	sadd.s32 $0xC700, s4;
	[dreg:$0xb] =	wrdreg s18  }
0x3b: {  	s9 =	sxor.u32 $0x7F8000, s2;
	s10 =	sxor.u32 $0x7F4000, s2;
	[dreg:$0xc] =	wrdreg s7  }
0x3c: {  	s26 =	sxor.u32 $0x7FC000, s2;
	s2 =	sxor.u32 $0x7F0000, s2;
	[dreg:$0xd] =	wrdreg s20  }
0x3d: {  	s19 =	sadd.s32 s0, s9;
	[dreg:$0xe] =	wrdreg s1;
	s11 =	sadd.s32 $0x9700, s4  }
0x3e: {  	s7 =	sxor.u32 $0x7F8000, s22;
	s13 =	sadd.s32 $0x7F00, s4;
	[dreg:$0xf] =	wrdreg s11  }
0x3f: {  	s1 =	sxor.u32 $0x7F0000, s22;
	s22 =	sadd.s32 $0x4800, s4;
	[dreg:$0x10] =	wrdreg s13  }
0x40: {  	s12 =	sshll.u32 s23, $0x8;
	s23 =	sadd.s32 $0x3000, s4;
	[dreg:$0x11] =	wrdreg s22  }
0x41: {  	s16 =	sadd.s32 s0, s25;
	s25 =	sadd.s32 $0x1800, s4;
	[dreg:$0x12] =	wrdreg s23  }
0x42: {  	s30 =	smax.u32 s3, $0x1;
	s21 =	sadd.s32 s0, s2;
	[dreg:$0x13] =	wrdreg s25  }
0x43: {  	p5 =	por p5, p2;
	s18 =	sadd.s32 s0, s26;
	s26 =	sld [smem:$0x7F3]  }
0x44: {  	p1 =	por p3, p2;
	p3 =	seq.s32 s8, $0x1;
	s3 =	sld [smem:$0x7F4]  }
0x45: {  	s8 =	stileid.u32;
	p2 =	por p3, p2;
	s4 =	sld [smem:$0x7F5]  }
0x46: {  	s5 =	stileid.u32;
	s14 =	sadd.s32 s0, s24;
	s6 =	sld [smem:$0x7F6]  }
0x47: {  	s20 =	sadd.s32 s0, s10;
	s15 =	sadd.s32 s0, s7;
	s7 =	sld [smem:$0x7F7]  }
0x48: {  	s24 =	sshll.u32 s8, $0xC;
	s17 =	sadd.s32 s0, s1;
	s8 =	sld [smem:$0x7F8]  }
0x49: {  	s28 =	sadd.s32 s24, s31;
	s29 =	sadd.s32 s12, s31;
	s10 =	sld [smem:$0x7F9]  }
0x4a: {  	s0 =	sadd.s32 $0x53800, s31;
	s1 =	sadd.s32 $0x47800, s31;
	s24 =	sld [smem:$0x7FA]  }
0x4b: {  	s25 =	sld [smem:$0x7FB];
	s9 =	sadd.s32 $0x2F800, s28;
	s11 =	sadd.s32 $0x5F000, s28  }
0x4c: {  	s12 =	sadd.s32 $0x8E800, s28;
	s13 =	sadd.s32 $0x2F800, s29;
	p3 =	seq.s32 s26, $0x1  }
0x4d: {  	s22 =	sadd.s32 $0x5F000, s29;
	s1 =	sshrl.u32 @!p3 s1, $0x3;
	p3 =	seq.s32 s3, $0x1  }
0x4e: {  	s23 =	sadd.s32 $0x8E800, s29;
	s26 =	sld [smem:$0x7FC];
	s0 =	sshrl.u32 @!p3 s0, $0x3  }
0x4f: {  	p3 =	seq.s32 s4, $0x1;
	[dreg:$0x15] =	wrdreg s0;
	s0 =	sadd.s32 $0x2F800, s31  }
0x50: {  	[dreg:$0x14] =	wrdreg s1;
	s1 =	sadd.s32 $0x18000, s31;
	s0 =	sshrl.u32 @!p3 s0, $0x3  }
0x51: {  	p3 =	seq.s32 s6, $0x1;
	[dreg:$0x16] =	wrdreg s0;
	s0 =	sadd.s32 $0x3B800, s31  }
0x52: {  	s0 =	sshrl.u32 @!p3 s0, $0x3;
	p3 =	seq.s32 s7, $0x1;
	s7 =	sshrl.u32 s9, $0x3  }
0x53: {  	s9 =	sshrl.u32 s12, $0x3;
	s12 =	sshrl.u32 s23, $0x3;
	[dreg:$0x17] =	wrdreg s0  }
0x54: {  	s0 =	sshrl.u32 @!p3 s1, $0x3;
	p3 =	seq.s32 s8, $0x1;
	s8 =	sshrl.u32 s11, $0x3  }
0x55: {  	s1 =	sadd.s32 $0x9A800, s31;
	[dreg:$0x18] =	wrdreg s0;
	s0 =	sadd.s32 $0x24000, s31  }
0x56: {  	s23 =	sshrl.u32 @!p4 s1, $0x3;
	s1 =	sadd.s32 $0x77000, s31;
	s0 =	sshrl.u32 @!p3 s0, $0x3  }
0x57: {  	p3 =	seq.s32 s10, $0x1;
	[dreg:$0x19] =	wrdreg s0;
	s0 =	sadd.s32 $0xC000, s31  }
0x58: {  	s10 =	sshrl.u32 s13, $0x3;
	s6 =	sshrl.u32 @!p3 s0, $0x3;
	s0 =	sadd.s32 $0xA6800, s31  }
0x59: {  	p3 =	seq.s32 s24, $0x1;
	s24 =	sshrl.u32 @!p5 s1, $0x3;
	s1 =	sadd.s32 $0x83000, s31  }
0x5a: {  	s13 =	sshrl.u32 @!p3 s0, $0x3;
	s0 =	sadd.s32 $0xB2800, s31;
	p3 =	seq.s32 s25, $0x1  }
0x5b: {  	s11 =	sshrl.u32 s22, $0x3;
	s25 =	sshrl.u32 @!p0 s1, $0x3;
	s22 =	sshrl.u32 @!p3 s0, $0x3  }
.Ltmp0:
0x5c: {  	s0 =	sadd.s32 $0x8E800, s31;
	p3 =	seq.s32 s26, $0x1;
	(pc) =	sbr.rel .LBB2_1-.Ltmp0, $4  }
0x5d: {  	s1 =	sadd.s32 $0x6B000, s31;
	s0 =	sshrl.u32 @!p3 s0, $0x3;
	p3 =	sgt.s32 s5, $0x7  }
0x5e: {  	s26 =	sadd.s32 $0x5F000, s31;
	s31 =	sshrl.u32 @!p2 s1, $0x3;
	s1 =	simm.s32 @!p3 $0x0  }
0x5f: {  	s4 =	stileid.u32;
	s1 =	simm.s32 @p3 $0x1  }
0x60: {  	s26 =	sshrl.u32 @!p1 s26, $0x3;
	[smem:$0x7FD] =	sst s1;
	s1 =	simm.s32 $0x1  }
.LBB2_3:
0x61: {  	s2 =	sld [smem:$0x7FA];
	_ =	sdelay $0x2  }
0x62: {  	p3 =	seq.s32 s2, $0x1  }
0x63: {  	s3 =	rddreg [dreg:$0x5];
	s2 =	simm.s32 @!p3 $0x1F82  }
0x64: {  	[spmem:s13], [sflag:s2] =	dma.local @!p3 [hbm:s3], $0x1800  }
0x65: {  	s2 =	simm.s32 @!p3 $0x2  }
0x66: {  	_ =	swait.ge @!p3 [sflag:s2], $0x1800  }
0x67: {  	s3 =	sld [smem:$0x7FB];
	_ =	sdelay $0x1  }
0x68: {  	[sflag:s2] =	ssyncset.done @!p3 $0x0  }
0x69: {  	[sflag:s2] =	ssyncadd.s32 @!p3 $0xFFFFE800;
	p3 =	seq.s32 s3, $0x1  }
0x6a: {  	s3 =	rddreg [dreg:$0x4];
	s2 =	simm.s32 @!p3 $0x1FC2  }
0x6b: {  	[spmem:s22], [sflag:s2] =	dma.local @!p3 [hbm:s3], $0x1700  }
0x6c: {  	s2 =	simm.s32 @!p3 $0x2  }
0x6d: {  	_ =	swait.ge @!p3 [sflag:s2], $0x1700  }
0x6e: {  	s5 =	sld [smem:$0x7FC];
	_ =	sdelay $0x1  }
0x6f: {  	[sflag:s2] =	ssyncset.done @!p3 $0x0  }
0x70: {  	[sflag:s2] =	ssyncadd.s32 @!p3 $0xFFFFE900;
	p3 =	seq.s32 s5, $0x1  }
0x71: {  	s3 =	rddreg [dreg:$0x7];
	s2 =	simm.s32 @!p3 $0x1F02  }
0x72: {  	[spmem:s0], [sflag:s2] =	dma.local @!p3 [hbm:s3], $0x1800  }
0x73: {  	s2 =	simm.s32 @!p3 $0x2  }
0x74: {  	_ =	swait.ge @!p3 [sflag:s2], $0x1800  }
0x75: {  	[sflag:s2] =	ssyncset.done @!p3 $0x0  }
0x76: {  	s3 =	rddreg [dreg:$0x6];
	[sflag:s2] =	ssyncadd.s32 @!p3 $0xFFFFE800;
	s2 =	simm.s32 @!p4 $0x1F42  }
0x77: {  	[spmem:s23], [sflag:s2] =	dma.local @!p4 [hbm:s3], $0x1800  }
0x78: {  	s2 =	simm.s32 @!p4 $0x2  }
0x79: {  	_ =	swait.ge @!p4 [sflag:s2], $0x1800  }
0x7a: {  	[sflag:s2] =	ssyncset.done @!p4 $0x0  }
0x7b: {  	s3 =	rddreg [dreg:$0x9];
	[sflag:s2] =	ssyncadd.s32 @!p4 $0xFFFFE800;
	s2 =	simm.s32 @!p5 $0x1E82  }
0x7c: {  	[spmem:s24], [sflag:s2] =	dma.local @!p5 [hbm:s3], $0x1800  }
0x7d: {  	s2 =	simm.s32 @!p5 $0x2  }
0x7e: {  	_ =	swait.ge @!p5 [sflag:s2], $0x1800  }
0x7f: {  	[sflag:s2] =	ssyncset.done @!p5 $0x0  }
0x80: {  	s3 =	rddreg [dreg:$0x8];
	[sflag:s2] =	ssyncadd.s32 @!p5 $0xFFFFE800;
	s2 =	simm.s32 @!p0 $0x1EC2  }
0x81: {  	[spmem:s25], [sflag:s2] =	dma.local @!p0 [hbm:s3], $0x1700  }
0x82: {  	s2 =	simm.s32 @!p0 $0x2  }
0x83: {  	_ =	swait.ge @!p0 [sflag:s2], $0x1700  }
0x84: {  	[sflag:s2] =	ssyncset.done @!p0 $0x0  }
0x85: {  	s3 =	rddreg [dreg:$0xb];
	[sflag:s2] =	ssyncadd.s32 @!p0 $0xFFFFE900;
	s2 =	simm.s32 @!p1 $0x1E02  }
0x86: {  	[spmem:s26], [sflag:s2] =	dma.local @!p1 [hbm:s3], $0x1800  }
0x87: {  	s2 =	simm.s32 @!p1 $0x2  }
0x88: {  	_ =	swait.ge @!p1 [sflag:s2], $0x1800  }
0x89: {  	[sflag:s2] =	ssyncset.done @!p1 $0x0  }
0x8a: {  	s3 =	rddreg [dreg:$0xa];
	[sflag:s2] =	ssyncadd.s32 @!p1 $0xFFFFE800;
	s2 =	simm.s32 @!p2 $0x1E42  }
0x8b: {  	[spmem:s31], [sflag:s2] =	dma.local @!p2 [hbm:s3], $0x1800  }
0x8c: {  	s2 =	simm.s32 @!p2 $0x2  }
0x8d: {  	_ =	swait.ge @!p2 [sflag:s2], $0x1800  }
0x8e: {  	[sflag:s2] =	ssyncset.done @!p2 $0x0  }
0x8f: {  	[sflag:s2] =	ssyncadd.s32 @!p2 $0xFFFFE800  }
.LBB2_4:
0x90: {  	s2 =	sshll.u32 s4, $0x6;
	[bflag:$0x0] =	sbarrier.arrive $0xFFFF  }
0x91: {  	s3 =	sshrl.u32 s28, $0x3;
	s5 =	sshrl.u32 s29, $0x3;
	s2 =	sor.u32 $0x1C01, s2  }
0x92: {  	[hbm:s14], [sflag:s2] =	dma.local [spmem:s3], $0x4000  }
0x93: {  	[hbm:s15], [sflag:s2] =	dma.local [spmem:s7], $0x4000  }
0x94: {  	[hbm:s16], [sflag:s2] =	dma.local [spmem:s8], $0x4000  }
0x95: {  	[hbm:s17], [sflag:s2] =	dma.local [spmem:s9], $0x4000  }
0x96: {  	[hbm:s18], [sflag:s2] =	dma.local [spmem:s5], $0x4000  }
0x97: {  	[hbm:s19], [sflag:s2] =	dma.local [spmem:s10], $0x4000  }
0x98: {  	[hbm:s20], [sflag:s2] =	dma.local [spmem:s11], $0x4000  }
0x99: {  	[hbm:s21], [sflag:s2] =	dma.local [spmem:s12], $0x4000  }
0x9a: {  	_ =	swait.ge [sflag:s1], $0x4000  }
0x9b: {  	[sflag:s1] =	ssyncset.done $0x0  }
0x9c: {  	[sflag:s1] =	ssyncadd.s32 $0xFFFFC000  }
0x9d: {  	_ =	swait.ge [sflag:s1], $0x4000  }
0x9e: {  	[sflag:s1] =	ssyncset.done $0x0  }
0x9f: {  	[sflag:s1] =	ssyncadd.s32 $0xFFFFC000  }
0xa0: {  	_ =	swait.ge [sflag:s1], $0x4000  }
0xa1: {  	[sflag:s1] =	ssyncset.done $0x0  }
0xa2: {  	[sflag:s1] =	ssyncadd.s32 $0xFFFFC000  }
0xa3: {  	_ =	swait.ge [sflag:s1], $0x4000  }
0xa4: {  	[sflag:s1] =	ssyncset.done $0x0  }
0xa5: {  	[sflag:s1] =	ssyncadd.s32 $0xFFFFC000  }
0xa6: {  	_ =	swait.ge [sflag:s1], $0x4000  }
0xa7: {  	[sflag:s1] =	ssyncset.done $0x0  }
0xa8: {  	[sflag:s1] =	ssyncadd.s32 $0xFFFFC000  }
0xa9: {  	_ =	swait.ge [sflag:s1], $0x4000  }
0xaa: {  	[sflag:s1] =	ssyncset.done $0x0  }
0xab: {  	s30 =	sadd.s32 $0xFFFFFFFF, s30;
	[sflag:s1] =	ssyncadd.s32 $0xFFFFC000  }
0xac: {  	p3 =	sne.s32 s30, $0x0;
	_ =	swait.ge [sflag:s1], $0x4000  }
.Ltmp1:
0xad: {  	[sflag:s1] =	ssyncset.done $0x0;
	(pc) =	sbr.rel @!p3 .LBB2_5-.Ltmp1, $4  }
0xae: {  	[sflag:s1] =	ssyncadd.s32 $0xFFFFC000  }
0xaf: {  	_ =	swait.ge [sflag:s1], $0x4000  }
0xb0: {  	[sflag:s1] =	ssyncset.done $0x0  }
0xb1: {  	[sflag:s1] =	ssyncadd.s32 $0xFFFFC000  }
.LBB2_1:
0xb2: {  	s2 =	sld [smem:$0x7FD];
	_ =	sdelay $0x2  }
0xb3: {  	p3 =	seq.s32 s2, $0x1  }
.Ltmp2:
0xb4: {  	_ = 	snop;
	(pc) =	sbr.rel @p3 .LBB2_3-.Ltmp2, $1  }
0xb5: {  	_ =	sdelay $0x3  }
0xb6: {  	s2 =	sld [smem:$0x7F3];
	_ =	sdelay $0x2  }
0xb7: {  	s3 =	rddreg [dreg:$0xd];
	p3 =	seq.s32 s2, $0x1  }
0xb8: {  	s5 =	rddreg [dreg:$0x14];
	s2 =	simm.s32 @!p3 $0x1D82  }
0xb9: {  	[spmem:s5], [sflag:s2] =	dma.local @!p3 [hbm:s3], $0x1800  }
0xba: {  	s2 =	simm.s32 @!p3 $0x2  }
0xbb: {  	_ =	swait.ge @!p3 [sflag:s2], $0x1800  }
0xbc: {  	s3 =	sld [smem:$0x7F4];
	_ =	sdelay $0x1  }
0xbd: {  	[sflag:s2] =	ssyncset.done @!p3 $0x0  }
0xbe: {  	s5 =	rddreg [dreg:$0x15];
	[sflag:s2] =	ssyncadd.s32 @!p3 $0xFFFFE800;
	p3 =	seq.s32 s3, $0x1  }
0xbf: {  	s3 =	rddreg [dreg:$0xc];
	s2 =	simm.s32 @!p3 $0x1DC2  }
0xc0: {  	[spmem:s5], [sflag:s2] =	dma.local @!p3 [hbm:s3], $0x1700  }
0xc1: {  	s2 =	simm.s32 @!p3 $0x2  }
0xc2: {  	_ =	swait.ge @!p3 [sflag:s2], $0x1700  }
0xc3: {  	s5 =	sld [smem:$0x7F5];
	_ =	sdelay $0x1  }
0xc4: {  	[sflag:s2] =	ssyncset.done @!p3 $0x0  }
0xc5: {  	s3 =	rddreg [dreg:$0x10];
	[sflag:s2] =	ssyncadd.s32 @!p3 $0xFFFFE900;
	p3 =	seq.s32 s5, $0x1  }
0xc6: {  	s5 =	rddreg [dreg:$0x16];
	s2 =	simm.s32 @!p3 $0x1D02  }
0xc7: {  	[spmem:s5], [sflag:s2] =	dma.local @!p3 [hbm:s3], $0x1800  }
0xc8: {  	s2 =	simm.s32 @!p3 $0x2  }
0xc9: {  	_ =	swait.ge @!p3 [sflag:s2], $0x1800  }
0xca: {  	s3 =	sld [smem:$0x7F6];
	_ =	sdelay $0x1  }
0xcb: {  	[sflag:s2] =	ssyncset.done @!p3 $0x0  }
0xcc: {  	s5 =	rddreg [dreg:$0x17];
	[sflag:s2] =	ssyncadd.s32 @!p3 $0xFFFFE800;
	p3 =	seq.s32 s3, $0x1  }
0xcd: {  	s3 =	rddreg [dreg:$0xf];
	s2 =	simm.s32 @!p3 $0x1D42  }
0xce: {  	[spmem:s5], [sflag:s2] =	dma.local @!p3 [hbm:s3], $0x1800  }
0xcf: {  	s2 =	simm.s32 @!p3 $0x2  }
0xd0: {  	_ =	swait.ge @!p3 [sflag:s2], $0x1800  }
0xd1: {  	s5 =	sld [smem:$0x7F7];
	_ =	sdelay $0x1  }
0xd2: {  	[sflag:s2] =	ssyncset.done @!p3 $0x0  }
0xd3: {  	s3 =	rddreg [dreg:$0x12];
	[sflag:s2] =	ssyncadd.s32 @!p3 $0xFFFFE800;
	p3 =	seq.s32 s5, $0x1  }
0xd4: {  	s5 =	rddreg [dreg:$0x18];
	s2 =	simm.s32 @!p3 $0x1C82  }
0xd5: {  	[spmem:s5], [sflag:s2] =	dma.local @!p3 [hbm:s3], $0x1800  }
0xd6: {  	s2 =	simm.s32 @!p3 $0x2  }
0xd7: {  	_ =	swait.ge @!p3 [sflag:s2], $0x1800  }
0xd8: {  	s3 =	sld [smem:$0x7F8];
	_ =	sdelay $0x1  }
0xd9: {  	[sflag:s2] =	ssyncset.done @!p3 $0x0  }
0xda: {  	s5 =	rddreg [dreg:$0x19];
	[sflag:s2] =	ssyncadd.s32 @!p3 $0xFFFFE800;
	p3 =	seq.s32 s3, $0x1  }
0xdb: {  	s3 =	rddreg [dreg:$0x11];
	s2 =	simm.s32 @!p3 $0x1CC2  }
0xdc: {  	[spmem:s5], [sflag:s2] =	dma.local @!p3 [hbm:s3], $0x1700  }
0xdd: {  	s2 =	simm.s32 @!p3 $0x2  }
0xde: {  	_ =	swait.ge @!p3 [sflag:s2], $0x1700  }
0xdf: {  	[sflag:s2] =	ssyncset.done @!p3 $0x0  }
0xe0: {  	[sflag:s2] =	ssyncadd.s32 @!p3 $0xFFFFE900  }
0xe1: {  	s2 =	rddreg [dreg:$0x2]  }
0xe2: {  	s3 =	simm.s32 @!p6 $0x1C02;
	s5 =	rddreg [dreg:$0xe];
	s2 =	sshrl.u32 @!p6 s2, $0x3  }
0xe3: {  	[spmem:s2], [sflag:s3] =	dma.local @!p6 [hbm:s5], $0x1800  }
0xe4: {  	s2 =	simm.s32 @!p6 $0x2  }
0xe5: {  	_ =	swait.ge @!p6 [sflag:s2], $0x1800  }
0xe6: {  	s5 =	sld [smem:$0x7F9];
	_ =	sdelay $0x2  }
0xe7: {  	[sflag:s2] =	ssyncset.done @!p6 $0x0;
	p3 =	seq.s32 s5, $0x1  }
0xe8: {  	s3 =	rddreg [dreg:$0x13];
	[sflag:s2] =	ssyncadd.s32 @!p6 $0xFFFFE800;
	s2 =	simm.s32 @!p3 $0x1C42  }
0xe9: {  	[spmem:s6], [sflag:s2] =	dma.local @!p3 [hbm:s3], $0x1800  }
.Ltmp3:
0xea: {  	_ = 	snop;
	(pc) =	sbr.rel .LBB2_4-.Ltmp3, $4  }
0xeb: {  	s2 =	simm.s32 @!p3 $0x2  }
0xec: {  	_ =	swait.ge @!p3 [sflag:s2], $0x1800  }
0xed: {  	[sflag:s2] =	ssyncset.done @!p3 $0x0  }
0xee: {  	[sflag:s2] =	ssyncadd.s32 @!p3 $0xFFFFE800  }
.LBB2_5:
0xef: {  	_ =	sfence.sel $0x180000  }
0xf0: {  	[bflag:$0x0] =	sbarrier.arrive $0xFFFF  }
0xf1: {  	_ =	strace $0x90000047  }
0xf2: {  	[bflag:$0x2] =	sbarrier.arrive $0xFFFF  }
0xf3: {  	p0 =	sne.s32 s4, $0x0;
	s0 =	rddreg [dreg:$0x3]  }
0xf4: {  	s0 =	sadd.s32 @!p0 $0x100000, s0  }
0xf5: {  	[sflag:s0] =	ssyncadd.tile.s32 @!p0 $0x1;
	_ =	shalt  }
.Lfunc_end2:
_tile_overlayer_lowered:
.L_overlay_start_2:
0xf6: {  	(tag) =	ssettag $0x2  }
0xf7: {  	s0 =	rddreg [dreg:$0x0];
	s2 =	stileid.u32  }
0xf8: {  	s1 =	rddreg [dreg:$0x1];
	p0 =	sne.s32 s2, $0x0  }
0xf9: {  	s3 =	rddreg [dreg:$0x2];
	[bflag:$0x3] =	sbarrier.arrive $0xFFFF;
	s2 =	simm.s32 @!p0 $0x1C02  }
0xfa: {  	[timem:s3], [sflag:s2] =	dma.local @!p0 [hbm:s0], s1  }
0xfb: {  	s0 =	simm.s32 @!p0 $0x2  }
0xfc: {  	_ =	swait.ge @!p0 [sflag:s0], s1  }
0xfd: {  	s1 =	ssub.s32 @!p0 $0x0, s1;
	[sflag:s0] =	ssyncset.done @!p0 $0x0  }
0xfe: {  	[sflag:s0] =	ssyncadd.s32 @!p0 s1  }
0xff: {  	[bflag:$0x3] =	sbarrier.arrive $0xFFFF  }
0x100: {  	_ =	shalt  }

</sc_bundles>
